<compile_context>
chip_gen: v7x
topology: tpu7x:2x2x1
jax: 0.10.2.dev20260603
libtpu: 0.0.44.dev20260713+nightly
codegen_flags: <defaults>
</compile_context>

<pallas_src>
import functools
import math

import jax
import jax.numpy as jnp
from jax import lax
from jax.experimental import pallas as pl
from jax.experimental.pallas import tpu as pltpu
from jax.experimental.pallas import tpu_sc as plsc

_LB = 128
_TP = 129
_CB = 32768


def _detile_body(scale, x_ref, o_ref):
    x = x_ref[...]
    h = _CB // 2
    x2 = jnp.concatenate([x[:, :h], x[:, h:]], axis=0)
    o_ref[...] = jnp.transpose(x2) * scale


def _detile(table_t, scale):
    emb, vocab = table_t.shape
    grid = (vocab + _CB - 1) // _CB
    return pl.pallas_call(
        functools.partial(_detile_body, scale),
        grid=(grid,),
        in_specs=[pl.BlockSpec((emb, _CB), lambda i: (0, i))],
        out_specs=pl.BlockSpec((_CB // 2, 2 * emb), lambda i: (i, 0)),
        out_shape=jax.ShapeDtypeStruct((grid * _CB // 2, 2 * emb), jnp.float32),
    )(table_t)


@functools.partial(jax.jit, static_argnames=("n_workers", "n_seq"))
def _emb_lookup(table, idx, *, n_workers, n_seq):
    vocab, d = table.shape
    mesh = plsc.VectorSubcoreMesh(core_axis_name="c", subcore_axis_name="s")
    n_cores = plsc.get_sparse_core_info().num_cores
    d_hi = d // 8

    @functools.partial(
        pl.kernel,
        mesh=mesh,
        out_type=jax.ShapeDtypeStruct((n_seq, d_hi, n_workers, 8, _LB), jnp.float32),
        scratch_types=[
            pltpu.VMEM((n_seq, _LB), jnp.int32),
            pltpu.VMEM((_LB, d), jnp.float32),
            pltpu.VMEM((_LB, d), jnp.float32),
            pltpu.VMEM((d, _TP), jnp.float32),
            pltpu.VMEM((d, _TP), jnp.float32),
            pltpu.SemaphoreType.DMA,
            pltpu.SemaphoreType.DMA,
            pltpu.SemaphoreType.DMA,
            pltpu.SemaphoreType.DMA,
        ],
        compiler_params=pltpu.CompilerParams(
            use_tc_tiling_on_sc=False, needs_layout_passes=False
        ),
    )
    def k(table_hbm, idx_hbm, out_hbm, idx_v, g_a, g_b, t_a, t_b, ga, gb, sa, sb):
        wid = lax.axis_index("s") * n_cores + lax.axis_index("c")
        pltpu.sync_copy(idx_hbm.at[wid], idx_v)

        lanes = lax.iota(jnp.int32, 16)
        zeros = jnp.zeros((16,), jnp.int32)

        def gather(s, buf, sem):
            pltpu.async_copy(table_hbm.at[idx_v.at[s]], buf, sem)

        def gather_wait(buf, sem):
            pltpu.make_async_copy(table_hbm.at[idx_v.at[0]], buf, sem).wait()

        erows = [lanes + 16 * kk for kk in range(d // 16)]

        def transpose_scale(gbuf, tbuf):
            def rbody(r4, c):
                r0 = 4 * r4
                for dr in range(4):
                    col = zeros + (r0 + dr)
                    for kk in range(d // 16):
                        v = gbuf[r0 + dr, pl.ds(16 * kk, 16)]
                        plsc.store_scatter(tbuf, [erows[kk], col], v)
                return c

            lax.fori_loop(0, _LB // 4, rbody, 0)

        def store(s, tbuf, sem):
            for eh in range(d_hi):
                pltpu.async_copy(
                    tbuf.at[pl.ds(8 * eh, 8), pl.ds(0, _LB)],
                    out_hbm.at[s, eh, wid],
                    sem,
                )

        def store_wait(tbuf, sem):
            for eh in range(d_hi):
                pltpu.make_async_copy(
                    tbuf.at[pl.ds(8 * eh, 8), pl.ds(0, _LB)],
                    out_hbm.at[0, eh, wid],
                    sem,
                ).wait()

        gather(0, g_a, ga)

        def body(p, carry):
            s0 = 2 * p

            @pl.when(p > 0)
            def _():
                store_wait(t_a, sa)

            gather(s0 + 1, g_b, gb)
            gather_wait(g_a, ga)
            transpose_scale(g_a, t_a)
            store(s0, t_a, sa)

            @pl.when(p < n_seq // 2 - 1)
            def _():
                gather(s0 + 2, g_a, ga)

            @pl.when(p > 0)
            def _():
                store_wait(t_b, sb)

            gather_wait(g_b, gb)
            transpose_scale(g_b, t_b)
            store(s0 + 1, t_b, sb)
            return carry

        lax.fori_loop(0, n_seq // 2, body, 0)
        store_wait(t_a, sa)
        store_wait(t_b, sb)

    return k(table, idx)


def kernel(tokens, table):
    b0, b1 = tokens.shape
    vocab, d = table.shape
    n_workers = b0 // _LB
    t2 = _detile(table.T, math.sqrt(d))
    table_lin = t2.reshape(t2.shape[0] * 2, d)
    half = _CB // 2
    tok = tokens.astype(jnp.int32)
    phys = (
        (tok // _CB) * _CB
        + (tok % half) * 2
        + (tok % _CB) // half
    )
    idx = phys.T.reshape(b1, n_workers, _LB).transpose(1, 0, 2)
    out5 = _emb_lookup(table_lin, idx, n_workers=n_workers, n_seq=b1)
    return out5.transpose(2, 4, 0, 1, 3).reshape(b0, b1, d)

# --- scband reference (transcript-rebuilt; emitter-appended) ---
"""Pipeline reference for scband-token-embedding-26877905338400 (READ-ONLY COPY).

The authoritative reference and input builder live on the scoring server;
editing this copy changes nothing except your own understanding.
"""

import jax, jax.numpy as jnp
import numpy as np
import math

VOCAB = 1000000
EMB = 64

def setup_inputs(seed: int = 0) -> dict:
    key = jax.random.key(seed)
    k1, k2 = jax.random.split(key)
    tokens = jax.random.randint(k1, (4096, 200), 0, VOCAB, dtype=jnp.int64 if jax.config.jax_enable_x64 else jnp.int32)
    table = jax.random.normal(k2, (VOCAB, EMB), dtype=jnp.float32)
    return {"tokens": tokens, "table": table}

def reference(tokens, table):
    # TokenEmbedding.forward: embedding(tokens.long()) * sqrt(emb_size)
    emb = jnp.take(table, tokens, axis=0)
    return emb * math.sqrt(EMB)

if __name__ == "__main__":
    import jax
    _d = setup_inputs()
    print(jax.jit(kernel)(*tuple(_d.values())))

</pallas_src>

<mosaic_0001>
#map = affine_map<(d0, d1) -> (0, 0)>
#map1 = affine_map<(d0, d1) -> (0, 0, 0)>
#map2 = affine_map<(d0, d1) -> (0, 0, 0, 0, 0)>
module attributes {stable_mosaic.version = 14 : i64} {
  func.func @k(%arg0: i32, %arg1: i32, %arg2: memref<1015808x64xf32, #tpu.memory_space<hbm>>, %arg3: memref<32x200x128xi32, #tpu.memory_space<hbm>>, %arg4: memref<200x8x32x8x128xf32, #tpu.memory_space<hbm>>, %arg5: memref<200x128xi32, #tpu.memory_space<vmem>>, %arg6: memref<128x64xf32, #tpu.memory_space<vmem>>, %arg7: memref<128x64xf32, #tpu.memory_space<vmem>>, %arg8: memref<64x129xf32, #tpu.memory_space<vmem>>, %arg9: memref<64x129xf32, #tpu.memory_space<vmem>>, %arg10: memref<!tpu.dma_semaphore, #tpu.memory_space<semaphore_mem>>, %arg11: memref<!tpu.dma_semaphore, #tpu.memory_space<semaphore_mem>>, %arg12: memref<!tpu.dma_semaphore, #tpu.memory_space<semaphore_mem>>, %arg13: memref<!tpu.dma_semaphore, #tpu.memory_space<semaphore_mem>>) attributes {dimension_semantics = [#tpu.dimension_semantics<core_parallel>, #tpu.dimension_semantics<subcore_parallel>], iteration_bounds = array<i64: 2, 16>, scalar_prefetch = 0 : i64, scratch_operands = 9 : i64, tpu.core_type = #tpu.core_type<sc_vector_subcore>, window_params = [{transform_indices = #map}, {transform_indices = #map1}, {transform_indices = #map2}]} {
    %mul3A = arith.constant 2 : i32
    %mul3A_0 = arith.muli %arg1, %mul3A : i32
    %add3A = arith.addi %mul3A_0, %arg0 : i32
    "tpu.region"() ({
      %run_scoped3A = tpu.sem_alloc : memref<!tpu.dma_semaphore, #tpu.memory_space<semaphore_mem>>
      %dma_start3A_280 = arith.constant 0 : i32
      %dma_start3A_281 = arith.constant 0 : i32
      %dma_start3A_282 = tpu.memref_slice %arg3[%add3A, %dma_start3A_280, %dma_start3A_281] : memref<32x200x128xi32, #tpu.memory_space<hbm>> -> memref<1x200x128xi32, #tpu.memory_space<hbm>>
      %dma_start3A_283 = tpu.memref_squeeze %dma_start3A_282 : memref<1x200x128xi32, #tpu.memory_space<hbm>> -> memref<200x128xi32, #tpu.memory_space<hbm>>
      %dma_start3A_284 = arith.constant 0 : i32
      %dma_start3A_285 = arith.constant 0 : i32
      %dma_start3A_286 = tpu.memref_slice %arg3[%add3A, %dma_start3A_284, %dma_start3A_285] : memref<32x200x128xi32, #tpu.memory_space<hbm>> -> memref<1x200x128xi32, #tpu.memory_space<hbm>>
      %dma_start3A_287 = tpu.memref_squeeze %dma_start3A_286 : memref<1x200x128xi32, #tpu.memory_space<hbm>> -> memref<200x128xi32, #tpu.memory_space<hbm>>
      tpu.enqueue_dma source(%dma_start3A_287 : memref<200x128xi32, #tpu.memory_space<hbm>>) target(%arg5 : memref<200x128xi32, #tpu.memory_space<vmem>>) target_semaphore(%run_scoped3A : memref<!tpu.dma_semaphore, #tpu.memory_space<semaphore_mem>>)
      %dma_wait3A_288 = arith.constant 0 : i32
      %dma_wait3A_289 = arith.constant 0 : i32
      %dma_wait3A_290 = tpu.memref_slice %arg3[%add3A, %dma_wait3A_288, %dma_wait3A_289] : memref<32x200x128xi32, #tpu.memory_space<hbm>> -> memref<1x200x128xi32, #tpu.memory_space<hbm>>
      %dma_wait3A_291 = tpu.memref_squeeze %dma_wait3A_290 : memref<1x200x128xi32, #tpu.memory_space<hbm>> -> memref<200x128xi32, #tpu.memory_space<hbm>>
      %dma_wait3A_292 = arith.constant 0 : i32
      %dma_wait3A_293 = arith.constant 0 : i32
      %dma_wait3A_294 = tpu.memref_slice %arg3[%add3A, %dma_wait3A_292, %dma_wait3A_293] : memref<32x200x128xi32, #tpu.memory_space<hbm>> -> memref<1x200x128xi32, #tpu.memory_space<hbm>>
      %dma_wait3A_295 = tpu.memref_squeeze %dma_wait3A_294 : memref<1x200x128xi32, #tpu.memory_space<hbm>> -> memref<200x128xi32, #tpu.memory_space<hbm>>
      tpu.wait_dma2 semaphore(%run_scoped3A : memref<!tpu.dma_semaphore, #tpu.memory_space<semaphore_mem>>) src(%dma_wait3A_295 : memref<200x128xi32, #tpu.memory_space<hbm>>) dst(%arg5 : memref<200x128xi32, #tpu.memory_space<vmem>>)
      tpu.yield
    }) : () -> ()
    %iota3A = tpu.iota {dimensions = array<i32: 0>} : vector<16xi32>
    %broadcast_in_dim3A = arith.constant 0 : i32
    %broadcast_in_dim3A_1 = vector.broadcast %broadcast_in_dim3A : i32 to vector<16xi32>
    %add3A_2 = arith.constant 0 : i32
    %add3A_3 = vector.broadcast %add3A_2 : i32 to vector<16xi32>
    %add3A_4 = arith.addi %iota3A, %add3A_3 : vector<16xi32>
    %add3A_5 = arith.constant 16 : i32
    %add3A_6 = vector.broadcast %add3A_5 : i32 to vector<16xi32>
    %add3A_7 = arith.addi %iota3A, %add3A_6 : vector<16xi32>
    %add3A_8 = arith.constant 32 : i32
    %add3A_9 = vector.broadcast %add3A_8 : i32 to vector<16xi32>
    %add3A_10 = arith.addi %iota3A, %add3A_9 : vector<16xi32>
    %add3A_11 = arith.constant 48 : i32
    %add3A_12 = vector.broadcast %add3A_11 : i32 to vector<16xi32>
    %add3A_13 = arith.addi %iota3A, %add3A_12 : vector<16xi32>
    %dma_start3A = arith.constant 0 : i32
    %dma_start3A_14 = arith.constant 0 : i32
    %dma_start3A_15 = tpu.memref_slice %arg5[%dma_start3A, %dma_start3A_14] : memref<200x128xi32, #tpu.memory_space<vmem>> -> memref<1x128xi32, #tpu.memory_space<vmem>>
    %dma_start3A_16 = tpu.memref_squeeze %dma_start3A_15 : memref<1x128xi32, #tpu.memory_space<vmem>> -> memref<128xi32, #tpu.memory_space<vmem>>
    %dma_start3A_17 = arith.constant 0 : i32
    %dma_start3A_18 = arith.constant 0 : i32
    %dma_start3A_19 = tpu.memref_slice %arg2[%dma_start3A_17, %dma_start3A_18] : memref<1015808x64xf32, #tpu.memory_space<hbm>> -> memref<1015808x64xf32, #tpu.memory_space<hbm>>
    tpu.enqueue_indirect_dma source(%dma_start3A_19 : memref<1015808x64xf32, #tpu.memory_space<hbm>>) target(%arg6 : memref<128x64xf32, #tpu.memory_space<vmem>>) offsets(%dma_start3A_16 : memref<128xi32, #tpu.memory_space<vmem>>) semaphore(%arg10 : memref<!tpu.dma_semaphore, #tpu.memory_space<semaphore_mem>>)
    %scan3A = arith.constant 0 : i32
    %scan3A_20 = arith.constant 0 : i32
    %scan3A_21 = arith.constant 100 : i32
    %scan3A_22 = arith.addi %scan3A_20, %scan3A_21 : i32
    %scan3A_23 = arith.constant 1 : i32
    scf.for %scan3A_280 = %scan3A_20 to %scan3A_22 step %scan3A_23  : i32 {
      %mul3A_281 = arith.constant 2 : i32
      %mul3A_282 = arith.muli %mul3A_281, %scan3A_280 : i32
      %gt3A = arith.constant 0 : i32
      %gt3A_283 = arith.cmpi sgt, %scan3A_280, %gt3A : i32
      %convert_element_type3A = arith.extui %gt3A_283 : i1 to i32
      %cond3A = arith.constant 0 : i32
      %cond3A_284 = arith.cmpi ne, %convert_element_type3A, %cond3A : i32
      scf.if %cond3A_284 {
        %dma_wait3A_570 = arith.constant 0 : i32
        %dma_wait3A_571 = arith.constant 0 : i32
        %dma_wait3A_572 = arith.constant 0 : i32
        %dma_wait3A_573 = arith.constant 0 : i32
        %dma_wait3A_574 = tpu.memref_slice %arg8[%dma_wait3A_572, %dma_wait3A_573] : memref<64x129xf32, #tpu.memory_space<vmem>> -> memref<8x128xf32, #tpu.memory_space<vmem>>
        %dma_wait3A_575 = arith.constant 0 : i32
        %dma_wait3A_576 = arith.constant 0 : i32
        %dma_wait3A_577 = tpu.memref_slice %arg4[%dma_wait3A_570, %dma_wait3A_571, %add3A, %dma_wait3A_575, %dma_wait3A_576] : memref<200x8x32x8x128xf32, #tpu.memory_space<hbm>> -> memref<1x1x1x8x128xf32, #tpu.memory_space<hbm>>
        %dma_wait3A_578 = tpu.memref_squeeze %dma_wait3A_577 : memref<1x1x1x8x128xf32, #tpu.memory_space<hbm>> -> memref<8x128xf32, #tpu.memory_space<hbm>>
        %dma_wait3A_579 = arith.constant 0 : i32
        %dma_wait3A_580 = arith.constant 0 : i32
        %dma_wait3A_581 = tpu.memref_slice %arg4[%dma_wait3A_570, %dma_wait3A_571, %add3A, %dma_wait3A_579, %dma_wait3A_580] : memref<200x8x32x8x128xf32, #tpu.memory_space<hbm>> -> memref<1x1x1x8x128xf32, #tpu.memory_space<hbm>>
        %dma_wait3A_582 = tpu.memref_squeeze %dma_wait3A_581 : memref<1x1x1x8x128xf32, #tpu.memory_space<hbm>> -> memref<8x128xf32, #tpu.memory_space<hbm>>
        %dma_wait3A_583 = arith.constant 0 : i32
        %dma_wait3A_584 = arith.constant 0 : i32
        %dma_wait3A_585 = tpu.memref_slice %arg8[%dma_wait3A_583, %dma_wait3A_584] : memref<64x129xf32, #tpu.memory_space<vmem>> -> memref<8x128xf32, #tpu.memory_space<vmem>>
        tpu.wait_dma2 semaphore(%arg12 : memref<!tpu.dma_semaphore, #tpu.memory_space<semaphore_mem>>) src(%dma_wait3A_585 : memref<8x128xf32, #tpu.memory_space<vmem>>) dst(%dma_wait3A_582 : memref<8x128xf32, #tpu.memory_space<hbm>>)
        %dma_wait3A_586 = arith.constant 0 : i32
        %dma_wait3A_587 = arith.constant 1 : i32
        %dma_wait3A_588 = arith.constant 8 : i32
        %dma_wait3A_589 = arith.constant 0 : i32
        %dma_wait3A_590 = tpu.memref_slice %arg8[%dma_wait3A_588, %dma_wait3A_589] : memref<64x129xf32, #tpu.memory_space<vmem>> -> memref<8x128xf32, #tpu.memory_space<vmem>>
        %dma_wait3A_591 = arith.constant 0 : i32
        %dma_wait3A_592 = arith.constant 0 : i32
        %dma_wait3A_593 = tpu.memref_slice %arg4[%dma_wait3A_586, %dma_wait3A_587, %add3A, %dma_wait3A_591, %dma_wait3A_592] : memref<200x8x32x8x128xf32, #tpu.memory_space<hbm>> -> memref<1x1x1x8x128xf32, #tpu.memory_space<hbm>>
        %dma_wait3A_594 = tpu.memref_squeeze %dma_wait3A_593 : memref<1x1x1x8x128xf32, #tpu.memory_space<hbm>> -> memref<8x128xf32, #tpu.memory_space<hbm>>
        %dma_wait3A_595 = arith.constant 0 : i32
        %dma_wait3A_596 = arith.constant 0 : i32
        %dma_wait3A_597 = tpu.memref_slice %arg4[%dma_wait3A_586, %dma_wait3A_587, %add3A, %dma_wait3A_595, %dma_wait3A_596] : memref<200x8x32x8x128xf32, #tpu.memory_space<hbm>> -> memref<1x1x1x8x128xf32, #tpu.memory_space<hbm>>
        %dma_wait3A_598 = tpu.memref_squeeze %dma_wait3A_597 : memref<1x1x1x8x128xf32, #tpu.memory_space<hbm>> -> memref<8x128xf32, #tpu.memory_space<hbm>>
        %dma_wait3A_599 = arith.constant 8 : i32
        %dma_wait3A_600 = arith.constant 0 : i32
        %dma_wait3A_601 = tpu.memref_slice %arg8[%dma_wait3A_599, %dma_wait3A_600] : memref<64x129xf32, #tpu.memory_space<vmem>> -> memref<8x128xf32, #tpu.memory_space<vmem>>
        tpu.wait_dma2 semaphore(%arg12 : memref<!tpu.dma_semaphore, #tpu.memory_space<semaphore_mem>>) src(%dma_wait3A_601 : memref<8x128xf32, #tpu.memory_space<vmem>>) dst(%dma_wait3A_598 : memref<8x128xf32, #tpu.memory_space<hbm>>)
        %dma_wait3A_602 = arith.constant 0 : i32
        %dma_wait3A_603 = arith.constant 2 : i32
        %dma_wait3A_604 = arith.constant 16 : i32
        %dma_wait3A_605 = arith.constant 0 : i32
        %dma_wait3A_606 = tpu.memref_slice %arg8[%dma_wait3A_604, %dma_wait3A_605] : memref<64x129xf32, #tpu.memory_space<vmem>> -> memref<8x128xf32, #tpu.memory_space<vmem>>
        %dma_wait3A_607 = arith.constant 0 : i32
        %dma_wait3A_608 = arith.constant 0 : i32
        %dma_wait3A_609 = tpu.memref_slice %arg4[%dma_wait3A_602, %dma_wait3A_603, %add3A, %dma_wait3A_607, %dma_wait3A_608] : memref<200x8x32x8x128xf32, #tpu.memory_space<hbm>> -> memref<1x1x1x8x128xf32, #tpu.memory_space<hbm>>
        %dma_wait3A_610 = tpu.memref_squeeze %dma_wait3A_609 : memref<1x1x1x8x128xf32, #tpu.memory_space<hbm>> -> memref<8x128xf32, #tpu.memory_space<hbm>>
        %dma_wait3A_611 = arith.constant 0 : i32
        %dma_wait3A_612 = arith.constant 0 : i32
        %dma_wait3A_613 = tpu.memref_slice %arg4[%dma_wait3A_602, %dma_wait3A_603, %add3A, %dma_wait3A_611, %dma_wait3A_612] : memref<200x8x32x8x128xf32, #tpu.memory_space<hbm>> -> memref<1x1x1x8x128xf32, #tpu.memory_space<hbm>>
        %dma_wait3A_614 = tpu.memref_squeeze %dma_wait3A_613 : memref<1x1x1x8x128xf32, #tpu.memory_space<hbm>> -> memref<8x128xf32, #tpu.memory_space<hbm>>
        %dma_wait3A_615 = arith.constant 16 : i32
        %dma_wait3A_616 = arith.constant 0 : i32
        %dma_wait3A_617 = tpu.memref_slice %arg8[%dma_wait3A_615, %dma_wait3A_616] : memref<64x129xf32, #tpu.memory_space<vmem>> -> memref<8x128xf32, #tpu.memory_space<vmem>>
        tpu.wait_dma2 semaphore(%arg12 : memref<!tpu.dma_semaphore, #tpu.memory_space<semaphore_mem>>) src(%dma_wait3A_617 : memref<8x128xf32, #tpu.memory_space<vmem>>) dst(%dma_wait3A_614 : memref<8x128xf32, #tpu.memory_space<hbm>>)
        %dma_wait3A_618 = arith.constant 0 : i32
        %dma_wait3A_619 = arith.constant 3 : i32
        %dma_wait3A_620 = arith.constant 24 : i32
        %dma_wait3A_621 = arith.constant 0 : i32
        %dma_wait3A_622 = tpu.memref_slice %arg8[%dma_wait3A_620, %dma_wait3A_621] : memref<64x129xf32, #tpu.memory_space<vmem>> -> memref<8x128xf32, #tpu.memory_space<vmem>>
        %dma_wait3A_623 = arith.constant 0 : i32
        %dma_wait3A_624 = arith.constant 0 : i32
        %dma_wait3A_625 = tpu.memref_slice %arg4[%dma_wait3A_618, %dma_wait3A_619, %add3A, %dma_wait3A_623, %dma_wait3A_624] : memref<200x8x32x8x128xf32, #tpu.memory_space<hbm>> -> memref<1x1x1x8x128xf32, #tpu.memory_space<hbm>>
        %dma_wait3A_626 = tpu.memref_squeeze %dma_wait3A_625 : memref<1x1x1x8x128xf32, #tpu.memory_space<hbm>> -> memref<8x128xf32, #tpu.memory_space<hbm>>
        %dma_wait3A_627 = arith.constant 0 : i32
        %dma_wait3A_628 = arith.constant 0 : i32
        %dma_wait3A_629 = tpu.memref_slice %arg4[%dma_wait3A_618, %dma_wait3A_619, %add3A, %dma_wait3A_627, %dma_wait3A_628] : memref<200x8x32x8x128xf32, #tpu.memory_space<hbm>> -> memref<1x1x1x8x128xf32, #tpu.memory_space<hbm>>
        %dma_wait3A_630 = tpu.memref_squeeze %dma_wait3A_629 : memref<1x1x1x8x128xf32, #tpu.memory_space<hbm>> -> memref<8x128xf32, #tpu.memory_space<hbm>>
        %dma_wait3A_631 = arith.constant 24 : i32
        %dma_wait3A_632 = arith.constant 0 : i32
        %dma_wait3A_633 = tpu.memref_slice %arg8[%dma_wait3A_631, %dma_wait3A_632] : memref<64x129xf32, #tpu.memory_space<vmem>> -> memref<8x128xf32, #tpu.memory_space<vmem>>
        tpu.wait_dma2 semaphore(%arg12 : memref<!tpu.dma_semaphore, #tpu.memory_space<semaphore_mem>>) src(%dma_wait3A_633 : memref<8x128xf32, #tpu.memory_space<vmem>>) dst(%dma_wait3A_630 : memref<8x128xf32, #tpu.memory_space<hbm>>)
        %dma_wait3A_634 = arith.constant 0 : i32
        %dma_wait3A_635 = arith.constant 4 : i32
        %dma_wait3A_636 = arith.constant 32 : i32
        %dma_wait3A_637 = arith.constant 0 : i32
        %dma_wait3A_638 = tpu.memref_slice %arg8[%dma_wait3A_636, %dma_wait3A_637] : memref<64x129xf32, #tpu.memory_space<vmem>> -> memref<8x128xf32, #tpu.memory_space<vmem>>
        %dma_wait3A_639 = arith.constant 0 : i32
        %dma_wait3A_640 = arith.constant 0 : i32
        %dma_wait3A_641 = tpu.memref_slice %arg4[%dma_wait3A_634, %dma_wait3A_635, %add3A, %dma_wait3A_639, %dma_wait3A_640] : memref<200x8x32x8x128xf32, #tpu.memory_space<hbm>> -> memref<1x1x1x8x128xf32, #tpu.memory_space<hbm>>
        %dma_wait3A_642 = tpu.memref_squeeze %dma_wait3A_641 : memref<1x1x1x8x128xf32, #tpu.memory_space<hbm>> -> memref<8x128xf32, #tpu.memory_space<hbm>>
        %dma_wait3A_643 = arith.constant 0 : i32
        %dma_wait3A_644 = arith.constant 0 : i32
        %dma_wait3A_645 = tpu.memref_slice %arg4[%dma_wait3A_634, %dma_wait3A_635, %add3A, %dma_wait3A_643, %dma_wait3A_644] : memref<200x8x32x8x128xf32, #tpu.memory_space<hbm>> -> memref<1x1x1x8x128xf32, #tpu.memory_space<hbm>>
        %dma_wait3A_646 = tpu.memref_squeeze %dma_wait3A_645 : memref<1x1x1x8x128xf32, #tpu.memory_space<hbm>> -> memref<8x128xf32, #tpu.memory_space<hbm>>
        %dma_wait3A_647 = arith.constant 32 : i32
        %dma_wait3A_648 = arith.constant 0 : i32
        %dma_wait3A_649 = tpu.memref_slice %arg8[%dma_wait3A_647, %dma_wait3A_648] : memref<64x129xf32, #tpu.memory_space<vmem>> -> memref<8x128xf32, #tpu.memory_space<vmem>>
        tpu.wait_dma2 semaphore(%arg12 : memref<!tpu.dma_semaphore, #tpu.memory_space<semaphore_mem>>) src(%dma_wait3A_649 : memref<8x128xf32, #tpu.memory_space<vmem>>) dst(%dma_wait3A_646 : memref<8x128xf32, #tpu.memory_space<hbm>>)
        %dma_wait3A_650 = arith.constant 0 : i32
        %dma_wait3A_651 = arith.constant 5 : i32
        %dma_wait3A_652 = arith.constant 40 : i32
        %dma_wait3A_653 = arith.constant 0 : i32
        %dma_wait3A_654 = tpu.memref_slice %arg8[%dma_wait3A_652, %dma_wait3A_653] : memref<64x129xf32, #tpu.memory_space<vmem>> -> memref<8x128xf32, #tpu.memory_space<vmem>>
        %dma_wait3A_655 = arith.constant 0 : i32
        %dma_wait3A_656 = arith.constant 0 : i32
        %dma_wait3A_657 = tpu.memref_slice %arg4[%dma_wait3A_650, %dma_wait3A_651, %add3A, %dma_wait3A_655, %dma_wait3A_656] : memref<200x8x32x8x128xf32, #tpu.memory_space<hbm>> -> memref<1x1x1x8x128xf32, #tpu.memory_space<hbm>>
        %dma_wait3A_658 = tpu.memref_squeeze %dma_wait3A_657 : memref<1x1x1x8x128xf32, #tpu.memory_space<hbm>> -> memref<8x128xf32, #tpu.memory_space<hbm>>
        %dma_wait3A_659 = arith.constant 0 : i32
        %dma_wait3A_660 = arith.constant 0 : i32
        %dma_wait3A_661 = tpu.memref_slice %arg4[%dma_wait3A_650, %dma_wait3A_651, %add3A, %dma_wait3A_659, %dma_wait3A_660] : memref<200x8x32x8x128xf32, #tpu.memory_space<hbm>> -> memref<1x1x1x8x128xf32, #tpu.memory_space<hbm>>
        %dma_wait3A_662 = tpu.memref_squeeze %dma_wait3A_661 : memref<1x1x1x8x128xf32, #tpu.memory_space<hbm>> -> memref<8x128xf32, #tpu.memory_space<hbm>>
        %dma_wait3A_663 = arith.constant 40 : i32
        %dma_wait3A_664 = arith.constant 0 : i32
        %dma_wait3A_665 = tpu.memref_slice %arg8[%dma_wait3A_663, %dma_wait3A_664] : memref<64x129xf32, #tpu.memory_space<vmem>> -> memref<8x128xf32, #tpu.memory_space<vmem>>
        tpu.wait_dma2 semaphore(%arg12 : memref<!tpu.dma_semaphore, #tpu.memory_space<semaphore_mem>>) src(%dma_wait3A_665 : memref<8x128xf32, #tpu.memory_space<vmem>>) dst(%dma_wait3A_662 : memref<8x128xf32, #tpu.memory_space<hbm>>)
        %dma_wait3A_666 = arith.constant 0 : i32
        %dma_wait3A_667 = arith.constant 6 : i32
        %dma_wait3A_668 = arith.constant 48 : i32
        %dma_wait3A_669 = arith.constant 0 : i32
        %dma_wait3A_670 = tpu.memref_slice %arg8[%dma_wait3A_668, %dma_wait3A_669] : memref<64x129xf32, #tpu.memory_space<vmem>> -> memref<8x128xf32, #tpu.memory_space<vmem>>
        %dma_wait3A_671 = arith.constant 0 : i32
        %dma_wait3A_672 = arith.constant 0 : i32
        %dma_wait3A_673 = tpu.memref_slice %arg4[%dma_wait3A_666, %dma_wait3A_667, %add3A, %dma_wait3A_671, %dma_wait3A_672] : memref<200x8x32x8x128xf32, #tpu.memory_space<hbm>> -> memref<1x1x1x8x128xf32, #tpu.memory_space<hbm>>
        %dma_wait3A_674 = tpu.memref_squeeze %dma_wait3A_673 : memref<1x1x1x8x128xf32, #tpu.memory_space<hbm>> -> memref<8x128xf32, #tpu.memory_space<hbm>>
        %dma_wait3A_675 = arith.constant 0 : i32
        %dma_wait3A_676 = arith.constant 0 : i32
        %dma_wait3A_677 = tpu.memref_slice %arg4[%dma_wait3A_666, %dma_wait3A_667, %add3A, %dma_wait3A_675, %dma_wait3A_676] : memref<200x8x32x8x128xf32, #tpu.memory_space<hbm>> -> memref<1x1x1x8x128xf32, #tpu.memory_space<hbm>>
        %dma_wait3A_678 = tpu.memref_squeeze %dma_wait3A_677 : memref<1x1x1x8x128xf32, #tpu.memory_space<hbm>> -> memref<8x128xf32, #tpu.memory_space<hbm>>
        %dma_wait3A_679 = arith.constant 48 : i32
        %dma_wait3A_680 = arith.constant 0 : i32
        %dma_wait3A_681 = tpu.memref_slice %arg8[%dma_wait3A_679, %dma_wait3A_680] : memref<64x129xf32, #tpu.memory_space<vmem>> -> memref<8x128xf32, #tpu.memory_space<vmem>>
        tpu.wait_dma2 semaphore(%arg12 : memref<!tpu.dma_semaphore, #tpu.memory_space<semaphore_mem>>) src(%dma_wait3A_681 : memref<8x128xf32, #tpu.memory_space<vmem>>) dst(%dma_wait3A_678 : memref<8x128xf32, #tpu.memory_space<hbm>>)
        %dma_wait3A_682 = arith.constant 0 : i32
        %dma_wait3A_683 = arith.constant 7 : i32
        %dma_wait3A_684 = arith.constant 56 : i32
        %dma_wait3A_685 = arith.constant 0 : i32
        %dma_wait3A_686 = tpu.memref_slice %arg8[%dma_wait3A_684, %dma_wait3A_685] : memref<64x129xf32, #tpu.memory_space<vmem>> -> memref<8x128xf32, #tpu.memory_space<vmem>>
        %dma_wait3A_687 = arith.constant 0 : i32
        %dma_wait3A_688 = arith.constant 0 : i32
        %dma_wait3A_689 = tpu.memref_slice %arg4[%dma_wait3A_682, %dma_wait3A_683, %add3A, %dma_wait3A_687, %dma_wait3A_688] : memref<200x8x32x8x128xf32, #tpu.memory_space<hbm>> -> memref<1x1x1x8x128xf32, #tpu.memory_space<hbm>>
        %dma_wait3A_690 = tpu.memref_squeeze %dma_wait3A_689 : memref<1x1x1x8x128xf32, #tpu.memory_space<hbm>> -> memref<8x128xf32, #tpu.memory_space<hbm>>
        %dma_wait3A_691 = arith.constant 0 : i32
        %dma_wait3A_692 = arith.constant 0 : i32
        %dma_wait3A_693 = tpu.memref_slice %arg4[%dma_wait3A_682, %dma_wait3A_683, %add3A, %dma_wait3A_691, %dma_wait3A_692] : memref<200x8x32x8x128xf32, #tpu.memory_space<hbm>> -> memref<1x1x1x8x128xf32, #tpu.memory_space<hbm>>
        %dma_wait3A_694 = tpu.memref_squeeze %dma_wait3A_693 : memref<1x1x1x8x128xf32, #tpu.memory_space<hbm>> -> memref<8x128xf32, #tpu.memory_space<hbm>>
        %dma_wait3A_695 = arith.constant 56 : i32
        %dma_wait3A_696 = arith.constant 0 : i32
        %dma_wait3A_697 = tpu.memref_slice %arg8[%dma_wait3A_695, %dma_wait3A_696] : memref<64x129xf32, #tpu.memory_space<vmem>> -> memref<8x128xf32, #tpu.memory_space<vmem>>
        tpu.wait_dma2 semaphore(%arg12 : memref<!tpu.dma_semaphore, #tpu.memory_space<semaphore_mem>>) src(%dma_wait3A_697 : memref<8x128xf32, #tpu.memory_space<vmem>>) dst(%dma_wait3A_694 : memref<8x128xf32, #tpu.memory_space<hbm>>)
      } else {
      }
      %add3A_285 = arith.constant 1 : i32
      %add3A_286 = arith.addi %mul3A_282, %add3A_285 : i32
      %dma_start3A_287 = arith.constant 0 : i32
      %dma_start3A_288 = tpu.memref_slice %arg5[%add3A_286, %dma_start3A_287] : memref<200x128xi32, #tpu.memory_space<vmem>> -> memref<1x128xi32, #tpu.memory_space<vmem>>
      %dma_start3A_289 = tpu.memref_squeeze %dma_start3A_288 : memref<1x128xi32, #tpu.memory_space<vmem>> -> memref<128xi32, #tpu.memory_space<vmem>>
      %dma_start3A_290 = arith.constant 0 : i32
      %dma_start3A_291 = arith.constant 0 : i32
      %dma_start3A_292 = tpu.memref_slice %arg2[%dma_start3A_290, %dma_start3A_291] : memref<1015808x64xf32, #tpu.memory_space<hbm>> -> memref<1015808x64xf32, #tpu.memory_space<hbm>>
      tpu.enqueue_indirect_dma source(%dma_start3A_292 : memref<1015808x64xf32, #tpu.memory_space<hbm>>) target(%arg7 : memref<128x64xf32, #tpu.memory_space<vmem>>) offsets(%dma_start3A_289 : memref<128xi32, #tpu.memory_space<vmem>>) semaphore(%arg11 : memref<!tpu.dma_semaphore, #tpu.memory_space<semaphore_mem>>)
      %dma_wait3A_293 = arith.constant 0 : i32
      %dma_wait3A_294 = arith.constant 0 : i32
      %dma_wait3A_295 = tpu.memref_slice %arg5[%dma_wait3A_293, %dma_wait3A_294] : memref<200x128xi32, #tpu.memory_space<vmem>> -> memref<1x128xi32, #tpu.memory_space<vmem>>
      %dma_wait3A_296 = tpu.memref_squeeze %dma_wait3A_295 : memref<1x128xi32, #tpu.memory_space<vmem>> -> memref<128xi32, #tpu.memory_space<vmem>>
      %dma_wait3A_297 = arith.constant 0 : i32
      %dma_wait3A_298 = arith.constant 0 : i32
      %dma_wait3A_299 = tpu.memref_slice %arg2[%dma_wait3A_297, %dma_wait3A_298] : memref<1015808x64xf32, #tpu.memory_space<hbm>> -> memref<1015808x64xf32, #tpu.memory_space<hbm>>
      tpu.wait_indirect_dma semaphore(%arg10 : memref<!tpu.dma_semaphore, #tpu.memory_space<semaphore_mem>>) src(%dma_wait3A_299 : memref<1015808x64xf32, #tpu.memory_space<hbm>>) dst(%arg6 : memref<128x64xf32, #tpu.memory_space<vmem>>)
      %scan3A_300 = arith.constant 0 : i32
      %scan3A_301 = arith.constant 0 : i32
      %scan3A_302 = arith.constant 32 : i32
      %scan3A_303 = arith.addi %scan3A_301, %scan3A_302 : i32
      %scan3A_304 = arith.constant 1 : i32
      scf.for %scan3A_570 = %scan3A_301 to %scan3A_303 step %scan3A_304  : i32 {
        %mul3A_571 = arith.constant 4 : i32
        %mul3A_572 = arith.muli %mul3A_571, %scan3A_570 : i32
        %add3A_573 = arith.constant 0 : i32
        %add3A_574 = arith.addi %mul3A_572, %add3A_573 : i32
        %add3A_575 = vector.broadcast %add3A_574 : i32 to vector<16xi32>
        %add3A_576 = arith.addi %broadcast_in_dim3A_1, %add3A_575 : vector<16xi32>
        %add3A_577 = arith.constant 0 : i32
        %add3A_578 = arith.addi %mul3A_572, %add3A_577 : i32
        %get3A = arith.index_cast %add3A_578 : i32 to index
        %get3A_579 = arith.constant 0 : index
        %get3A_580 = tpu.vector_load %arg6[%get3A, %get3A_579] {strides = array<i32>} : memref<128x64xf32, #tpu.memory_space<vmem>>, vector<16xf32>,
        tpu.vector_store_idx %arg8[%add3A_4, %add3A_576], %get3A_580 : memref<64x129xf32, #tpu.memory_space<vmem>>[vector<16xi32>, vector<16xi32>], vector<16xf32>,
        %add3A_581 = arith.constant 0 : i32
        %add3A_582 = arith.addi %mul3A_572, %add3A_581 : i32
        %get3A_583 = arith.index_cast %add3A_582 : i32 to index
        %get3A_584 = arith.constant 16 : index
        %get3A_585 = tpu.vector_load %arg6[%get3A_583, %get3A_584] {strides = array<i32>} : memref<128x64xf32, #tpu.memory_space<vmem>>, vector<16xf32>,
        tpu.vector_store_idx %arg8[%add3A_7, %add3A_576], %get3A_585 : memref<64x129xf32, #tpu.memory_space<vmem>>[vector<16xi32>, vector<16xi32>], vector<16xf32>,
        %add3A_586 = arith.constant 0 : i32
        %add3A_587 = arith.addi %mul3A_572, %add3A_586 : i32
        %get3A_588 = arith.index_cast %add3A_587 : i32 to index
        %get3A_589 = arith.constant 32 : index
        %get3A_590 = tpu.vector_load %arg6[%get3A_588, %get3A_589] {strides = array<i32>} : memref<128x64xf32, #tpu.memory_space<vmem>>, vector<16xf32>,
        tpu.vector_store_idx %arg8[%add3A_10, %add3A_576], %get3A_590 : memref<64x129xf32, #tpu.memory_space<vmem>>[vector<16xi32>, vector<16xi32>], vector<16xf32>,
        %add3A_591 = arith.constant 0 : i32
        %add3A_592 = arith.addi %mul3A_572, %add3A_591 : i32
        %get3A_593 = arith.index_cast %add3A_592 : i32 to index
        %get3A_594 = arith.constant 48 : index
        %get3A_595 = tpu.vector_load %arg6[%get3A_593, %get3A_594] {strides = array<i32>} : memref<128x64xf32, #tpu.memory_space<vmem>>, vector<16xf32>,
        tpu.vector_store_idx %arg8[%add3A_13, %add3A_576], %get3A_595 : memref<64x129xf32, #tpu.memory_space<vmem>>[vector<16xi32>, vector<16xi32>], vector<16xf32>,
        %add3A_596 = arith.constant 1 : i32
        %add3A_597 = arith.addi %mul3A_572, %add3A_596 : i32
        %add3A_598 = vector.broadcast %add3A_597 : i32 to vector<16xi32>
        %add3A_599 = arith.addi %broadcast_in_dim3A_1, %add3A_598 : vector<16xi32>
        %add3A_600 = arith.constant 1 : i32
        %add3A_601 = arith.addi %mul3A_572, %add3A_600 : i32
        %get3A_602 = arith.index_cast %add3A_601 : i32 to index
        %get3A_603 = arith.constant 0 : index
        %get3A_604 = tpu.vector_load %arg6[%get3A_602, %get3A_603] {strides = array<i32>} : memref<128x64xf32, #tpu.memory_space<vmem>>, vector<16xf32>,
        tpu.vector_store_idx %arg8[%add3A_4, %add3A_599], %get3A_604 : memref<64x129xf32, #tpu.memory_space<vmem>>[vector<16xi32>, vector<16xi32>], vector<16xf32>,
        %add3A_605 = arith.constant 1 : i32
        %add3A_606 = arith.addi %mul3A_572, %add3A_605 : i32
        %get3A_607 = arith.index_cast %add3A_606 : i32 to index
        %get3A_608 = arith.constant 16 : index
        %get3A_609 = tpu.vector_load %arg6[%get3A_607, %get3A_608] {strides = array<i32>} : memref<128x64xf32, #tpu.memory_space<vmem>>, vector<16xf32>,
        tpu.vector_store_idx %arg8[%add3A_7, %add3A_599], %get3A_609 : memref<64x129xf32, #tpu.memory_space<vmem>>[vector<16xi32>, vector<16xi32>], vector<16xf32>,
        %add3A_610 = arith.constant 1 : i32
        %add3A_611 = arith.addi %mul3A_572, %add3A_610 : i32
        %get3A_612 = arith.index_cast %add3A_611 : i32 to index
        %get3A_613 = arith.constant 32 : index
        %get3A_614 = tpu.vector_load %arg6[%get3A_612, %get3A_613] {strides = array<i32>} : memref<128x64xf32, #tpu.memory_space<vmem>>, vector<16xf32>,
        tpu.vector_store_idx %arg8[%add3A_10, %add3A_599], %get3A_614 : memref<64x129xf32, #tpu.memory_space<vmem>>[vector<16xi32>, vector<16xi32>], vector<16xf32>,
        %add3A_615 = arith.constant 1 : i32
        %add3A_616 = arith.addi %mul3A_572, %add3A_615 : i32
        %get3A_617 = arith.index_cast %add3A_616 : i32 to index
        %get3A_618 = arith.constant 48 : index
        %get3A_619 = tpu.vector_load %arg6[%get3A_617, %get3A_618] {strides = array<i32>} : memref<128x64xf32, #tpu.memory_space<vmem>>, vector<16xf32>,
        tpu.vector_store_idx %arg8[%add3A_13, %add3A_599], %get3A_619 : memref<64x129xf32, #tpu.memory_space<vmem>>[vector<16xi32>, vector<16xi32>], vector<16xf32>,
        %add3A_620 = arith.constant 2 : i32
        %add3A_621 = arith.addi %mul3A_572, %add3A_620 : i32
        %add3A_622 = vector.broadcast %add3A_621 : i32 to vector<16xi32>
        %add3A_623 = arith.addi %broadcast_in_dim3A_1, %add3A_622 : vector<16xi32>
        %add3A_624 = arith.constant 2 : i32
        %add3A_625 = arith.addi %mul3A_572, %add3A_624 : i32
        %get3A_626 = arith.index_cast %add3A_625 : i32 to index
        %get3A_627 = arith.constant 0 : index
        %get3A_628 = tpu.vector_load %arg6[%get3A_626, %get3A_627] {strides = array<i32>} : memref<128x64xf32, #tpu.memory_space<vmem>>, vector<16xf32>,
        tpu.vector_store_idx %arg8[%add3A_4, %add3A_623], %get3A_628 : memref<64x129xf32, #tpu.memory_space<vmem>>[vector<16xi32>, vector<16xi32>], vector<16xf32>,
        %add3A_629 = arith.constant 2 : i32
        %add3A_630 = arith.addi %mul3A_572, %add3A_629 : i32
        %get3A_631 = arith.index_cast %add3A_630 : i32 to index
        %get3A_632 = arith.constant 16 : index
        %get3A_633 = tpu.vector_load %arg6[%get3A_631, %get3A_632] {strides = array<i32>} : memref<128x64xf32, #tpu.memory_space<vmem>>, vector<16xf32>,
        tpu.vector_store_idx %arg8[%add3A_7, %add3A_623], %get3A_633 : memref<64x129xf32, #tpu.memory_space<vmem>>[vector<16xi32>, vector<16xi32>], vector<16xf32>,
        %add3A_634 = arith.constant 2 : i32
        %add3A_635 = arith.addi %mul3A_572, %add3A_634 : i32
        %get3A_636 = arith.index_cast %add3A_635 : i32 to index
        %get3A_637 = arith.constant 32 : index
        %get3A_638 = tpu.vector_load %arg6[%get3A_636, %get3A_637] {strides = array<i32>} : memref<128x64xf32, #tpu.memory_space<vmem>>, vector<16xf32>,
        tpu.vector_store_idx %arg8[%add3A_10, %add3A_623], %get3A_638 : memref<64x129xf32, #tpu.memory_space<vmem>>[vector<16xi32>, vector<16xi32>], vector<16xf32>,
        %add3A_639 = arith.constant 2 : i32
        %add3A_640 = arith.addi %mul3A_572, %add3A_639 : i32
        %get3A_641 = arith.index_cast %add3A_640 : i32 to index
        %get3A_642 = arith.constant 48 : index
        %get3A_643 = tpu.vector_load %arg6[%get3A_641, %get3A_642] {strides = array<i32>} : memref<128x64xf32, #tpu.memory_space<vmem>>, vector<16xf32>,
        tpu.vector_store_idx %arg8[%add3A_13, %add3A_623], %get3A_643 : memref<64x129xf32, #tpu.memory_space<vmem>>[vector<16xi32>, vector<16xi32>], vector<16xf32>,
        %add3A_644 = arith.constant 3 : i32
        %add3A_645 = arith.addi %mul3A_572, %add3A_644 : i32
        %add3A_646 = vector.broadcast %add3A_645 : i32 to vector<16xi32>
        %add3A_647 = arith.addi %broadcast_in_dim3A_1, %add3A_646 : vector<16xi32>
        %add3A_648 = arith.constant 3 : i32
        %add3A_649 = arith.addi %mul3A_572, %add3A_648 : i32
        %get3A_650 = arith.index_cast %add3A_649 : i32 to index
        %get3A_651 = arith.constant 0 : index
        %get3A_652 = tpu.vector_load %arg6[%get3A_650, %get3A_651] {strides = array<i32>} : memref<128x64xf32, #tpu.memory_space<vmem>>, vector<16xf32>,
        tpu.vector_store_idx %arg8[%add3A_4, %add3A_647], %get3A_652 : memref<64x129xf32, #tpu.memory_space<vmem>>[vector<16xi32>, vector<16xi32>], vector<16xf32>,
        %add3A_653 = arith.constant 3 : i32
        %add3A_654 = arith.addi %mul3A_572, %add3A_653 : i32
        %get3A_655 = arith.index_cast %add3A_654 : i32 to index
        %get3A_656 = arith.constant 16 : index
        %get3A_657 = tpu.vector_load %arg6[%get3A_655, %get3A_656] {strides = array<i32>} : memref<128x64xf32, #tpu.memory_space<vmem>>, vector<16xf32>,
        tpu.vector_store_idx %arg8[%add3A_7, %add3A_647], %get3A_657 : memref<64x129xf32, #tpu.memory_space<vmem>>[vector<16xi32>, vector<16xi32>], vector<16xf32>,
        %add3A_658 = arith.constant 3 : i32
        %add3A_659 = arith.addi %mul3A_572, %add3A_658 : i32
        %get3A_660 = arith.index_cast %add3A_659 : i32 to index
        %get3A_661 = arith.constant 32 : index
        %get3A_662 = tpu.vector_load %arg6[%get3A_660, %get3A_661] {strides = array<i32>} : memref<128x64xf32, #tpu.memory_space<vmem>>, vector<16xf32>,
        tpu.vector_store_idx %arg8[%add3A_10, %add3A_647], %get3A_662 : memref<64x129xf32, #tpu.memory_space<vmem>>[vector<16xi32>, vector<16xi32>], vector<16xf32>,
        %add3A_663 = arith.constant 3 : i32
        %add3A_664 = arith.addi %mul3A_572, %add3A_663 : i32
        %get3A_665 = arith.index_cast %add3A_664 : i32 to index
        %get3A_666 = arith.constant 48 : index
        %get3A_667 = tpu.vector_load %arg6[%get3A_665, %get3A_666] {strides = array<i32>} : memref<128x64xf32, #tpu.memory_space<vmem>>, vector<16xf32>,
        tpu.vector_store_idx %arg8[%add3A_13, %add3A_647], %get3A_667 : memref<64x129xf32, #tpu.memory_space<vmem>>[vector<16xi32>, vector<16xi32>], vector<16xf32>,
      }
      %scan3A_305 = arith.constant 32 : i32
      %dma_start3A_306 = arith.constant 0 : i32
      %dma_start3A_307 = arith.constant 0 : i32
      %dma_start3A_308 = arith.constant 0 : i32
      %dma_start3A_309 = tpu.memref_slice %arg8[%dma_start3A_307, %dma_start3A_308] : memref<64x129xf32, #tpu.memory_space<vmem>> -> memref<8x128xf32, #tpu.memory_space<vmem>>
      %dma_start3A_310 = arith.constant 0 : i32
      %dma_start3A_311 = arith.constant 0 : i32
      %dma_start3A_312 = tpu.memref_slice %arg4[%mul3A_282, %dma_start3A_306, %add3A, %dma_start3A_310, %dma_start3A_311] : memref<200x8x32x8x128xf32, #tpu.memory_space<hbm>> -> memref<1x1x1x8x128xf32, #tpu.memory_space<hbm>>
      %dma_start3A_313 = tpu.memref_squeeze %dma_start3A_312 : memref<1x1x1x8x128xf32, #tpu.memory_space<hbm>> -> memref<8x128xf32, #tpu.memory_space<hbm>>
      %dma_start3A_314 = arith.constant 0 : i32
      %dma_start3A_315 = arith.constant 0 : i32
      %dma_start3A_316 = tpu.memref_slice %arg4[%mul3A_282, %dma_start3A_306, %add3A, %dma_start3A_314, %dma_start3A_315] : memref<200x8x32x8x128xf32, #tpu.memory_space<hbm>> -> memref<1x1x1x8x128xf32, #tpu.memory_space<hbm>>
      %dma_start3A_317 = tpu.memref_squeeze %dma_start3A_316 : memref<1x1x1x8x128xf32, #tpu.memory_space<hbm>> -> memref<8x128xf32, #tpu.memory_space<hbm>>
      %dma_start3A_318 = arith.constant 0 : i32
      %dma_start3A_319 = arith.constant 0 : i32
      %dma_start3A_320 = tpu.memref_slice %arg8[%dma_start3A_318, %dma_start3A_319] : memref<64x129xf32, #tpu.memory_space<vmem>> -> memref<8x128xf32, #tpu.memory_space<vmem>>
      tpu.enqueue_dma source(%dma_start3A_320 : memref<8x128xf32, #tpu.memory_space<vmem>>) target(%dma_start3A_317 : memref<8x128xf32, #tpu.memory_space<hbm>>) target_semaphore(%arg12 : memref<!tpu.dma_semaphore, #tpu.memory_space<semaphore_mem>>)
      %dma_start3A_321 = arith.constant 1 : i32
      %dma_start3A_322 = arith.constant 8 : i32
      %dma_start3A_323 = arith.constant 0 : i32
      %dma_start3A_324 = tpu.memref_slice %arg8[%dma_start3A_322, %dma_start3A_323] : memref<64x129xf32, #tpu.memory_space<vmem>> -> memref<8x128xf32, #tpu.memory_space<vmem>>
      %dma_start3A_325 = arith.constant 0 : i32
      %dma_start3A_326 = arith.constant 0 : i32
      %dma_start3A_327 = tpu.memref_slice %arg4[%mul3A_282, %dma_start3A_321, %add3A, %dma_start3A_325, %dma_start3A_326] : memref<200x8x32x8x128xf32, #tpu.memory_space<hbm>> -> memref<1x1x1x8x128xf32, #tpu.memory_space<hbm>>
      %dma_start3A_328 = tpu.memref_squeeze %dma_start3A_327 : memref<1x1x1x8x128xf32, #tpu.memory_space<hbm>> -> memref<8x128xf32, #tpu.memory_space<hbm>>
      %dma_start3A_329 = arith.constant 0 : i32
      %dma_start3A_330 = arith.constant 0 : i32
      %dma_start3A_331 = tpu.memref_slice %arg4[%mul3A_282, %dma_start3A_321, %add3A, %dma_start3A_329, %dma_start3A_330] : memref<200x8x32x8x128xf32, #tpu.memory_space<hbm>> -> memref<1x1x1x8x128xf32, #tpu.memory_space<hbm>>
      %dma_start3A_332 = tpu.memref_squeeze %dma_start3A_331 : memref<1x1x1x8x128xf32, #tpu.memory_space<hbm>> -> memref<8x128xf32, #tpu.memory_space<hbm>>
      %dma_start3A_333 = arith.constant 8 : i32
      %dma_start3A_334 = arith.constant 0 : i32
      %dma_start3A_335 = tpu.memref_slice %arg8[%dma_start3A_333, %dma_start3A_334] : memref<64x129xf32, #tpu.memory_space<vmem>> -> memref<8x128xf32, #tpu.memory_space<vmem>>
      tpu.enqueue_dma source(%dma_start3A_335 : memref<8x128xf32, #tpu.memory_space<vmem>>) target(%dma_start3A_332 : memref<8x128xf32, #tpu.memory_space<hbm>>) target_semaphore(%arg12 : memref<!tpu.dma_semaphore, #tpu.memory_space<semaphore_mem>>)
      %dma_start3A_336 = arith.constant 2 : i32
      %dma_start3A_337 = arith.constant 16 : i32
      %dma_start3A_338 = arith.constant 0 : i32
      %dma_start3A_339 = tpu.memref_slice %arg8[%dma_start3A_337, %dma_start3A_338] : memref<64x129xf32, #tpu.memory_space<vmem>> -> memref<8x128xf32, #tpu.memory_space<vmem>>
      %dma_start3A_340 = arith.constant 0 : i32
      %dma_start3A_341 = arith.constant 0 : i32
      %dma_start3A_342 = tpu.memref_slice %arg4[%mul3A_282, %dma_start3A_336, %add3A, %dma_start3A_340, %dma_start3A_341] : memref<200x8x32x8x128xf32, #tpu.memory_space<hbm>> -> memref<1x1x1x8x128xf32, #tpu.memory_space<hbm>>
      %dma_start3A_343 = tpu.memref_squeeze %dma_start3A_342 : memref<1x1x1x8x128xf32, #tpu.memory_space<hbm>> -> memref<8x128xf32, #tpu.memory_space<hbm>>
      %dma_start3A_344 = arith.constant 0 : i32
      %dma_start3A_345 = arith.constant 0 : i32
      %dma_start3A_346 = tpu.memref_slice %arg4[%mul3A_282, %dma_start3A_336, %add3A, %dma_start3A_344, %dma_start3A_345] : memref<200x8x32x8x128xf32, #tpu.memory_space<hbm>> -> memref<1x1x1x8x128xf32, #tpu.memory_space<hbm>>
      %dma_start3A_347 = tpu.memref_squeeze %dma_start3A_346 : memref<1x1x1x8x128xf32, #tpu.memory_space<hbm>> -> memref<8x128xf32, #tpu.memory_space<hbm>>
      %dma_start3A_348 = arith.constant 16 : i32
      %dma_start3A_349 = arith.constant 0 : i32
      %dma_start3A_350 = tpu.memref_slice %arg8[%dma_start3A_348, %dma_start3A_349] : memref<64x129xf32, #tpu.memory_space<vmem>> -> memref<8x128xf32, #tpu.memory_space<vmem>>
      tpu.enqueue_dma source(%dma_start3A_350 : memref<8x128xf32, #tpu.memory_space<vmem>>) target(%dma_start3A_347 : memref<8x128xf32, #tpu.memory_space<hbm>>) target_semaphore(%arg12 : memref<!tpu.dma_semaphore, #tpu.memory_space<semaphore_mem>>)
      %dma_start3A_351 = arith.constant 3 : i32
      %dma_start3A_352 = arith.constant 24 : i32
      %dma_start3A_353 = arith.constant 0 : i32
      %dma_start3A_354 = tpu.memref_slice %arg8[%dma_start3A_352, %dma_start3A_353] : memref<64x129xf32, #tpu.memory_space<vmem>> -> memref<8x128xf32, #tpu.memory_space<vmem>>
      %dma_start3A_355 = arith.constant 0 : i32
      %dma_start3A_356 = arith.constant 0 : i32
      %dma_start3A_357 = tpu.memref_slice %arg4[%mul3A_282, %dma_start3A_351, %add3A, %dma_start3A_355, %dma_start3A_356] : memref<200x8x32x8x128xf32, #tpu.memory_space<hbm>> -> memref<1x1x1x8x128xf32, #tpu.memory_space<hbm>>
      %dma_start3A_358 = tpu.memref_squeeze %dma_start3A_357 : memref<1x1x1x8x128xf32, #tpu.memory_space<hbm>> -> memref<8x128xf32, #tpu.memory_space<hbm>>
      %dma_start3A_359 = arith.constant 0 : i32
      %dma_start3A_360 = arith.constant 0 : i32
      %dma_start3A_361 = tpu.memref_slice %arg4[%mul3A_282, %dma_start3A_351, %add3A, %dma_start3A_359, %dma_start3A_360] : memref<200x8x32x8x128xf32, #tpu.memory_space<hbm>> -> memref<1x1x1x8x128xf32, #tpu.memory_space<hbm>>
      %dma_start3A_362 = tpu.memref_squeeze %dma_start3A_361 : memref<1x1x1x8x128xf32, #tpu.memory_space<hbm>> -> memref<8x128xf32, #tpu.memory_space<hbm>>
      %dma_start3A_363 = arith.constant 24 : i32
      %dma_start3A_364 = arith.constant 0 : i32
      %dma_start3A_365 = tpu.memref_slice %arg8[%dma_start3A_363, %dma_start3A_364] : memref<64x129xf32, #tpu.memory_space<vmem>> -> memref<8x128xf32, #tpu.memory_space<vmem>>
      tpu.enqueue_dma source(%dma_start3A_365 : memref<8x128xf32, #tpu.memory_space<vmem>>) target(%dma_start3A_362 : memref<8x128xf32, #tpu.memory_space<hbm>>) target_semaphore(%arg12 : memref<!tpu.dma_semaphore, #tpu.memory_space<semaphore_mem>>)
      %dma_start3A_366 = arith.constant 4 : i32
      %dma_start3A_367 = arith.constant 32 : i32
      %dma_start3A_368 = arith.constant 0 : i32
      %dma_start3A_369 = tpu.memref_slice %arg8[%dma_start3A_367, %dma_start3A_368] : memref<64x129xf32, #tpu.memory_space<vmem>> -> memref<8x128xf32, #tpu.memory_space<vmem>>
      %dma_start3A_370 = arith.constant 0 : i32
      %dma_start3A_371 = arith.constant 0 : i32
      %dma_start3A_372 = tpu.memref_slice %arg4[%mul3A_282, %dma_start3A_366, %add3A, %dma_start3A_370, %dma_start3A_371] : memref<200x8x32x8x128xf32, #tpu.memory_space<hbm>> -> memref<1x1x1x8x128xf32, #tpu.memory_space<hbm>>
      %dma_start3A_373 = tpu.memref_squeeze %dma_start3A_372 : memref<1x1x1x8x128xf32, #tpu.memory_space<hbm>> -> memref<8x128xf32, #tpu.memory_space<hbm>>
      %dma_start3A_374 = arith.constant 0 : i32
      %dma_start3A_375 = arith.constant 0 : i32
      %dma_start3A_376 = tpu.memref_slice %arg4[%mul3A_282, %dma_start3A_366, %add3A, %dma_start3A_374, %dma_start3A_375] : memref<200x8x32x8x128xf32, #tpu.memory_space<hbm>> -> memref<1x1x1x8x128xf32, #tpu.memory_space<hbm>>
      %dma_start3A_377 = tpu.memref_squeeze %dma_start3A_376 : memref<1x1x1x8x128xf32, #tpu.memory_space<hbm>> -> memref<8x128xf32, #tpu.memory_space<hbm>>
      %dma_start3A_378 = arith.constant 32 : i32
      %dma_start3A_379 = arith.constant 0 : i32
      %dma_start3A_380 = tpu.memref_slice %arg8[%dma_start3A_378, %dma_start3A_379] : memref<64x129xf32, #tpu.memory_space<vmem>> -> memref<8x128xf32, #tpu.memory_space<vmem>>
      tpu.enqueue_dma source(%dma_start3A_380 : memref<8x128xf32, #tpu.memory_space<vmem>>) target(%dma_start3A_377 : memref<8x128xf32, #tpu.memory_space<hbm>>) target_semaphore(%arg12 : memref<!tpu.dma_semaphore, #tpu.memory_space<semaphore_mem>>)
      %dma_start3A_381 = arith.constant 5 : i32
      %dma_start3A_382 = arith.constant 40 : i32
      %dma_start3A_383 = arith.constant 0 : i32
      %dma_start3A_384 = tpu.memref_slice %arg8[%dma_start3A_382, %dma_start3A_383] : memref<64x129xf32, #tpu.memory_space<vmem>> -> memref<8x128xf32, #tpu.memory_space<vmem>>
      %dma_start3A_385 = arith.constant 0 : i32
      %dma_start3A_386 = arith.constant 0 : i32
      %dma_start3A_387 = tpu.memref_slice %arg4[%mul3A_282, %dma_start3A_381, %add3A, %dma_start3A_385, %dma_start3A_386] : memref<200x8x32x8x128xf32, #tpu.memory_space<hbm>> -> memref<1x1x1x8x128xf32, #tpu.memory_space<hbm>>
      %dma_start3A_388 = tpu.memref_squeeze %dma_start3A_387 : memref<1x1x1x8x128xf32, #tpu.memory_space<hbm>> -> memref<8x128xf32, #tpu.memory_space<hbm>>
      %dma_start3A_389 = arith.constant 0 : i32
      %dma_start3A_390 = arith.constant 0 : i32
      %dma_start3A_391 = tpu.memref_slice %arg4[%mul3A_282, %dma_start3A_381, %add3A, %dma_start3A_389, %dma_start3A_390] : memref<200x8x32x8x128xf32, #tpu.memory_space<hbm>> -> memref<1x1x1x8x128xf32, #tpu.memory_space<hbm>>
      %dma_start3A_392 = tpu.memref_squeeze %dma_start3A_391 : memref<1x1x1x8x128xf32, #tpu.memory_space<hbm>> -> memref<8x128xf32, #tpu.memory_space<hbm>>
      %dma_start3A_393 = arith.constant 40 : i32
      %dma_start3A_394 = arith.constant 0 : i32
      %dma_start3A_395 = tpu.memref_slice %arg8[%dma_start3A_393, %dma_start3A_394] : memref<64x129xf32, #tpu.memory_space<vmem>> -> memref<8x128xf32, #tpu.memory_space<vmem>>
      tpu.enqueue_dma source(%dma_start3A_395 : memref<8x128xf32, #tpu.memory_space<vmem>>) target(%dma_start3A_392 : memref<8x128xf32, #tpu.memory_space<hbm>>) target_semaphore(%arg12 : memref<!tpu.dma_semaphore, #tpu.memory_space<semaphore_mem>>)
      %dma_start3A_396 = arith.constant 6 : i32
      %dma_start3A_397 = arith.constant 48 : i32
      %dma_start3A_398 = arith.constant 0 : i32
      %dma_start3A_399 = tpu.memref_slice %arg8[%dma_start3A_397, %dma_start3A_398] : memref<64x129xf32, #tpu.memory_space<vmem>> -> memref<8x128xf32, #tpu.memory_space<vmem>>
      %dma_start3A_400 = arith.constant 0 : i32
      %dma_start3A_401 = arith.constant 0 : i32
      %dma_start3A_402 = tpu.memref_slice %arg4[%mul3A_282, %dma_start3A_396, %add3A, %dma_start3A_400, %dma_start3A_401] : memref<200x8x32x8x128xf32, #tpu.memory_space<hbm>> -> memref<1x1x1x8x128xf32, #tpu.memory_space<hbm>>
      %dma_start3A_403 = tpu.memref_squeeze %dma_start3A_402 : memref<1x1x1x8x128xf32, #tpu.memory_space<hbm>> -> memref<8x128xf32, #tpu.memory_space<hbm>>
      %dma_start3A_404 = arith.constant 0 : i32
      %dma_start3A_405 = arith.constant 0 : i32
      %dma_start3A_406 = tpu.memref_slice %arg4[%mul3A_282, %dma_start3A_396, %add3A, %dma_start3A_404, %dma_start3A_405] : memref<200x8x32x8x128xf32, #tpu.memory_space<hbm>> -> memref<1x1x1x8x128xf32, #tpu.memory_space<hbm>>
      %dma_start3A_407 = tpu.memref_squeeze %dma_start3A_406 : memref<1x1x1x8x128xf32, #tpu.memory_space<hbm>> -> memref<8x128xf32, #tpu.memory_space<hbm>>
      %dma_start3A_408 = arith.constant 48 : i32
      %dma_start3A_409 = arith.constant 0 : i32
      %dma_start3A_410 = tpu.memref_slice %arg8[%dma_start3A_408, %dma_start3A_409] : memref<64x129xf32, #tpu.memory_space<vmem>> -> memref<8x128xf32, #tpu.memory_space<vmem>>
      tpu.enqueue_dma source(%dma_start3A_410 : memref<8x128xf32, #tpu.memory_space<vmem>>) target(%dma_start3A_407 : memref<8x128xf32, #tpu.memory_space<hbm>>) target_semaphore(%arg12 : memref<!tpu.dma_semaphore, #tpu.memory_space<semaphore_mem>>)
      %dma_start3A_411 = arith.constant 7 : i32
      %dma_start3A_412 = arith.constant 56 : i32
      %dma_start3A_413 = arith.constant 0 : i32
      %dma_start3A_414 = tpu.memref_slice %arg8[%dma_start3A_412, %dma_start3A_413] : memref<64x129xf32, #tpu.memory_space<vmem>> -> memref<8x128xf32, #tpu.memory_space<vmem>>
      %dma_start3A_415 = arith.constant 0 : i32
      %dma_start3A_416 = arith.constant 0 : i32
      %dma_start3A_417 = tpu.memref_slice %arg4[%mul3A_282, %dma_start3A_411, %add3A, %dma_start3A_415, %dma_start3A_416] : memref<200x8x32x8x128xf32, #tpu.memory_space<hbm>> -> memref<1x1x1x8x128xf32, #tpu.memory_space<hbm>>
      %dma_start3A_418 = tpu.memref_squeeze %dma_start3A_417 : memref<1x1x1x8x128xf32, #tpu.memory_space<hbm>> -> memref<8x128xf32, #tpu.memory_space<hbm>>
      %dma_start3A_419 = arith.constant 0 : i32
      %dma_start3A_420 = arith.constant 0 : i32
      %dma_start3A_421 = tpu.memref_slice %arg4[%mul3A_282, %dma_start3A_411, %add3A, %dma_start3A_419, %dma_start3A_420] : memref<200x8x32x8x128xf32, #tpu.memory_space<hbm>> -> memref<1x1x1x8x128xf32, #tpu.memory_space<hbm>>
      %dma_start3A_422 = tpu.memref_squeeze %dma_start3A_421 : memref<1x1x1x8x128xf32, #tpu.memory_space<hbm>> -> memref<8x128xf32, #tpu.memory_space<hbm>>
      %dma_start3A_423 = arith.constant 56 : i32
      %dma_start3A_424 = arith.constant 0 : i32
      %dma_start3A_425 = tpu.memref_slice %arg8[%dma_start3A_423, %dma_start3A_424] : memref<64x129xf32, #tpu.memory_space<vmem>> -> memref<8x128xf32, #tpu.memory_space<vmem>>
      tpu.enqueue_dma source(%dma_start3A_425 : memref<8x128xf32, #tpu.memory_space<vmem>>) target(%dma_start3A_422 : memref<8x128xf32, #tpu.memory_space<hbm>>) target_semaphore(%arg12 : memref<!tpu.dma_semaphore, #tpu.memory_space<semaphore_mem>>)
      %lt3A = arith.constant 99 : i32
      %lt3A_426 = arith.cmpi slt, %scan3A_280, %lt3A : i32
      %convert_element_type3A_427 = arith.extui %lt3A_426 : i1 to i32
      %cond3A_428 = arith.constant 0 : i32
      %cond3A_429 = arith.cmpi ne, %convert_element_type3A_427, %cond3A_428 : i32
      scf.if %cond3A_429 {
        %add3A_570 = arith.constant 2 : i32
        %add3A_571 = arith.addi %mul3A_282, %add3A_570 : i32
        %dma_start3A_572 = arith.constant 0 : i32
        %dma_start3A_573 = tpu.memref_slice %arg5[%add3A_571, %dma_start3A_572] : memref<200x128xi32, #tpu.memory_space<vmem>> -> memref<1x128xi32, #tpu.memory_space<vmem>>
        %dma_start3A_574 = tpu.memref_squeeze %dma_start3A_573 : memref<1x128xi32, #tpu.memory_space<vmem>> -> memref<128xi32, #tpu.memory_space<vmem>>
        %dma_start3A_575 = arith.constant 0 : i32
        %dma_start3A_576 = arith.constant 0 : i32
        %dma_start3A_577 = tpu.memref_slice %arg2[%dma_start3A_575, %dma_start3A_576] : memref<1015808x64xf32, #tpu.memory_space<hbm>> -> memref<1015808x64xf32, #tpu.memory_space<hbm>>
        tpu.enqueue_indirect_dma source(%dma_start3A_577 : memref<1015808x64xf32, #tpu.memory_space<hbm>>) target(%arg6 : memref<128x64xf32, #tpu.memory_space<vmem>>) offsets(%dma_start3A_574 : memref<128xi32, #tpu.memory_space<vmem>>) semaphore(%arg10 : memref<!tpu.dma_semaphore, #tpu.memory_space<semaphore_mem>>)
      } else {
      }
      %gt3A_430 = arith.constant 0 : i32
      %gt3A_431 = arith.cmpi sgt, %scan3A_280, %gt3A_430 : i32
      %convert_element_type3A_432 = arith.extui %gt3A_431 : i1 to i32
      %cond3A_433 = arith.constant 0 : i32
      %cond3A_434 = arith.cmpi ne, %convert_element_type3A_432, %cond3A_433 : i32
      scf.if %cond3A_434 {
        %dma_wait3A_570 = arith.constant 0 : i32
        %dma_wait3A_571 = arith.constant 0 : i32
        %dma_wait3A_572 = arith.constant 0 : i32
        %dma_wait3A_573 = arith.constant 0 : i32
        %dma_wait3A_574 = tpu.memref_slice %arg9[%dma_wait3A_572, %dma_wait3A_573] : memref<64x129xf32, #tpu.memory_space<vmem>> -> memref<8x128xf32, #tpu.memory_space<vmem>>
        %dma_wait3A_575 = arith.constant 0 : i32
        %dma_wait3A_576 = arith.constant 0 : i32
        %dma_wait3A_577 = tpu.memref_slice %arg4[%dma_wait3A_570, %dma_wait3A_571, %add3A, %dma_wait3A_575, %dma_wait3A_576] : memref<200x8x32x8x128xf32, #tpu.memory_space<hbm>> -> memref<1x1x1x8x128xf32, #tpu.memory_space<hbm>>
        %dma_wait3A_578 = tpu.memref_squeeze %dma_wait3A_577 : memref<1x1x1x8x128xf32, #tpu.memory_space<hbm>> -> memref<8x128xf32, #tpu.memory_space<hbm>>
        %dma_wait3A_579 = arith.constant 0 : i32
        %dma_wait3A_580 = arith.constant 0 : i32
        %dma_wait3A_581 = tpu.memref_slice %arg4[%dma_wait3A_570, %dma_wait3A_571, %add3A, %dma_wait3A_579, %dma_wait3A_580] : memref<200x8x32x8x128xf32, #tpu.memory_space<hbm>> -> memref<1x1x1x8x128xf32, #tpu.memory_space<hbm>>
        %dma_wait3A_582 = tpu.memref_squeeze %dma_wait3A_581 : memref<1x1x1x8x128xf32, #tpu.memory_space<hbm>> -> memref<8x128xf32, #tpu.memory_space<hbm>>
        %dma_wait3A_583 = arith.constant 0 : i32
        %dma_wait3A_584 = arith.constant 0 : i32
        %dma_wait3A_585 = tpu.memref_slice %arg9[%dma_wait3A_583, %dma_wait3A_584] : memref<64x129xf32, #tpu.memory_space<vmem>> -> memref<8x128xf32, #tpu.memory_space<vmem>>
        tpu.wait_dma2 semaphore(%arg13 : memref<!tpu.dma_semaphore, #tpu.memory_space<semaphore_mem>>) src(%dma_wait3A_585 : memref<8x128xf32, #tpu.memory_space<vmem>>) dst(%dma_wait3A_582 : memref<8x128xf32, #tpu.memory_space<hbm>>)
        %dma_wait3A_586 = arith.constant 0 : i32
        %dma_wait3A_587 = arith.constant 1 : i32
        %dma_wait3A_588 = arith.constant 8 : i32
        %dma_wait3A_589 = arith.constant 0 : i32
        %dma_wait3A_590 = tpu.memref_slice %arg9[%dma_wait3A_588, %dma_wait3A_589] : memref<64x129xf32, #tpu.memory_space<vmem>> -> memref<8x128xf32, #tpu.memory_space<vmem>>
        %dma_wait3A_591 = arith.constant 0 : i32
        %dma_wait3A_592 = arith.constant 0 : i32
        %dma_wait3A_593 = tpu.memref_slice %arg4[%dma_wait3A_586, %dma_wait3A_587, %add3A, %dma_wait3A_591, %dma_wait3A_592] : memref<200x8x32x8x128xf32, #tpu.memory_space<hbm>> -> memref<1x1x1x8x128xf32, #tpu.memory_space<hbm>>
        %dma_wait3A_594 = tpu.memref_squeeze %dma_wait3A_593 : memref<1x1x1x8x128xf32, #tpu.memory_space<hbm>> -> memref<8x128xf32, #tpu.memory_space<hbm>>
        %dma_wait3A_595 = arith.constant 0 : i32
        %dma_wait3A_596 = arith.constant 0 : i32
        %dma_wait3A_597 = tpu.memref_slice %arg4[%dma_wait3A_586, %dma_wait3A_587, %add3A, %dma_wait3A_595, %dma_wait3A_596] : memref<200x8x32x8x128xf32, #tpu.memory_space<hbm>> -> memref<1x1x1x8x128xf32, #tpu.memory_space<hbm>>
        %dma_wait3A_598 = tpu.memref_squeeze %dma_wait3A_597 : memref<1x1x1x8x128xf32, #tpu.memory_space<hbm>> -> memref<8x128xf32, #tpu.memory_space<hbm>>
        %dma_wait3A_599 = arith.constant 8 : i32
        %dma_wait3A_600 = arith.constant 0 : i32
        %dma_wait3A_601 = tpu.memref_slice %arg9[%dma_wait3A_599, %dma_wait3A_600] : memref<64x129xf32, #tpu.memory_space<vmem>> -> memref<8x128xf32, #tpu.memory_space<vmem>>
        tpu.wait_dma2 semaphore(%arg13 : memref<!tpu.dma_semaphore, #tpu.memory_space<semaphore_mem>>) src(%dma_wait3A_601 : memref<8x128xf32, #tpu.memory_space<vmem>>) dst(%dma_wait3A_598 : memref<8x128xf32, #tpu.memory_space<hbm>>)
        %dma_wait3A_602 = arith.constant 0 : i32
        %dma_wait3A_603 = arith.constant 2 : i32
        %dma_wait3A_604 = arith.constant 16 : i32
        %dma_wait3A_605 = arith.constant 0 : i32
        %dma_wait3A_606 = tpu.memref_slice %arg9[%dma_wait3A_604, %dma_wait3A_605] : memref<64x129xf32, #tpu.memory_space<vmem>> -> memref<8x128xf32, #tpu.memory_space<vmem>>
        %dma_wait3A_607 = arith.constant 0 : i32
        %dma_wait3A_608 = arith.constant 0 : i32
        %dma_wait3A_609 = tpu.memref_slice %arg4[%dma_wait3A_602, %dma_wait3A_603, %add3A, %dma_wait3A_607, %dma_wait3A_608] : memref<200x8x32x8x128xf32, #tpu.memory_space<hbm>> -> memref<1x1x1x8x128xf32, #tpu.memory_space<hbm>>
        %dma_wait3A_610 = tpu.memref_squeeze %dma_wait3A_609 : memref<1x1x1x8x128xf32, #tpu.memory_space<hbm>> -> memref<8x128xf32, #tpu.memory_space<hbm>>
        %dma_wait3A_611 = arith.constant 0 : i32
        %dma_wait3A_612 = arith.constant 0 : i32
        %dma_wait3A_613 = tpu.memref_slice %arg4[%dma_wait3A_602, %dma_wait3A_603, %add3A, %dma_wait3A_611, %dma_wait3A_612] : memref<200x8x32x8x128xf32, #tpu.memory_space<hbm>> -> memref<1x1x1x8x128xf32, #tpu.memory_space<hbm>>
        %dma_wait3A_614 = tpu.memref_squeeze %dma_wait3A_613 : memref<1x1x1x8x128xf32, #tpu.memory_space<hbm>> -> memref<8x128xf32, #tpu.memory_space<hbm>>
        %dma_wait3A_615 = arith.constant 16 : i32
        %dma_wait3A_616 = arith.constant 0 : i32
        %dma_wait3A_617 = tpu.memref_slice %arg9[%dma_wait3A_615, %dma_wait3A_616] : memref<64x129xf32, #tpu.memory_space<vmem>> -> memref<8x128xf32, #tpu.memory_space<vmem>>
        tpu.wait_dma2 semaphore(%arg13 : memref<!tpu.dma_semaphore, #tpu.memory_space<semaphore_mem>>) src(%dma_wait3A_617 : memref<8x128xf32, #tpu.memory_space<vmem>>) dst(%dma_wait3A_614 : memref<8x128xf32, #tpu.memory_space<hbm>>)
        %dma_wait3A_618 = arith.constant 0 : i32
        %dma_wait3A_619 = arith.constant 3 : i32
        %dma_wait3A_620 = arith.constant 24 : i32
        %dma_wait3A_621 = arith.constant 0 : i32
        %dma_wait3A_622 = tpu.memref_slice %arg9[%dma_wait3A_620, %dma_wait3A_621] : memref<64x129xf32, #tpu.memory_space<vmem>> -> memref<8x128xf32, #tpu.memory_space<vmem>>
        %dma_wait3A_623 = arith.constant 0 : i32
        %dma_wait3A_624 = arith.constant 0 : i32
        %dma_wait3A_625 = tpu.memref_slice %arg4[%dma_wait3A_618, %dma_wait3A_619, %add3A, %dma_wait3A_623, %dma_wait3A_624] : memref<200x8x32x8x128xf32, #tpu.memory_space<hbm>> -> memref<1x1x1x8x128xf32, #tpu.memory_space<hbm>>
        %dma_wait3A_626 = tpu.memref_squeeze %dma_wait3A_625 : memref<1x1x1x8x128xf32, #tpu.memory_space<hbm>> -> memref<8x128xf32, #tpu.memory_space<hbm>>
        %dma_wait3A_627 = arith.constant 0 : i32
        %dma_wait3A_628 = arith.constant 0 : i32
        %dma_wait3A_629 = tpu.memref_slice %arg4[%dma_wait3A_618, %dma_wait3A_619, %add3A, %dma_wait3A_627, %dma_wait3A_628] : memref<200x8x32x8x128xf32, #tpu.memory_space<hbm>> -> memref<1x1x1x8x128xf32, #tpu.memory_space<hbm>>
        %dma_wait3A_630 = tpu.memref_squeeze %dma_wait3A_629 : memref<1x1x1x8x128xf32, #tpu.memory_space<hbm>> -> memref<8x128xf32, #tpu.memory_space<hbm>>
        %dma_wait3A_631 = arith.constant 24 : i32
        %dma_wait3A_632 = arith.constant 0 : i32
        %dma_wait3A_633 = tpu.memref_slice %arg9[%dma_wait3A_631, %dma_wait3A_632] : memref<64x129xf32, #tpu.memory_space<vmem>> -> memref<8x128xf32, #tpu.memory_space<vmem>>
        tpu.wait_dma2 semaphore(%arg13 : memref<!tpu.dma_semaphore, #tpu.memory_space<semaphore_mem>>) src(%dma_wait3A_633 : memref<8x128xf32, #tpu.memory_space<vmem>>) dst(%dma_wait3A_630 : memref<8x128xf32, #tpu.memory_space<hbm>>)
        %dma_wait3A_634 = arith.constant 0 : i32
        %dma_wait3A_635 = arith.constant 4 : i32
        %dma_wait3A_636 = arith.constant 32 : i32
        %dma_wait3A_637 = arith.constant 0 : i32
        %dma_wait3A_638 = tpu.memref_slice %arg9[%dma_wait3A_636, %dma_wait3A_637] : memref<64x129xf32, #tpu.memory_space<vmem>> -> memref<8x128xf32, #tpu.memory_space<vmem>>
        %dma_wait3A_639 = arith.constant 0 : i32
        %dma_wait3A_640 = arith.constant 0 : i32
        %dma_wait3A_641 = tpu.memref_slice %arg4[%dma_wait3A_634, %dma_wait3A_635, %add3A, %dma_wait3A_639, %dma_wait3A_640] : memref<200x8x32x8x128xf32, #tpu.memory_space<hbm>> -> memref<1x1x1x8x128xf32, #tpu.memory_space<hbm>>
        %dma_wait3A_642 = tpu.memref_squeeze %dma_wait3A_641 : memref<1x1x1x8x128xf32, #tpu.memory_space<hbm>> -> memref<8x128xf32, #tpu.memory_space<hbm>>
        %dma_wait3A_643 = arith.constant 0 : i32
        %dma_wait3A_644 = arith.constant 0 : i32
        %dma_wait3A_645 = tpu.memref_slice %arg4[%dma_wait3A_634, %dma_wait3A_635, %add3A, %dma_wait3A_643, %dma_wait3A_644] : memref<200x8x32x8x128xf32, #tpu.memory_space<hbm>> -> memref<1x1x1x8x128xf32, #tpu.memory_space<hbm>>
        %dma_wait3A_646 = tpu.memref_squeeze %dma_wait3A_645 : memref<1x1x1x8x128xf32, #tpu.memory_space<hbm>> -> memref<8x128xf32, #tpu.memory_space<hbm>>
        %dma_wait3A_647 = arith.constant 32 : i32
        %dma_wait3A_648 = arith.constant 0 : i32
        %dma_wait3A_649 = tpu.memref_slice %arg9[%dma_wait3A_647, %dma_wait3A_648] : memref<64x129xf32, #tpu.memory_space<vmem>> -> memref<8x128xf32, #tpu.memory_space<vmem>>
        tpu.wait_dma2 semaphore(%arg13 : memref<!tpu.dma_semaphore, #tpu.memory_space<semaphore_mem>>) src(%dma_wait3A_649 : memref<8x128xf32, #tpu.memory_space<vmem>>) dst(%dma_wait3A_646 : memref<8x128xf32, #tpu.memory_space<hbm>>)
        %dma_wait3A_650 = arith.constant 0 : i32
        %dma_wait3A_651 = arith.constant 5 : i32
        %dma_wait3A_652 = arith.constant 40 : i32
        %dma_wait3A_653 = arith.constant 0 : i32
        %dma_wait3A_654 = tpu.memref_slice %arg9[%dma_wait3A_652, %dma_wait3A_653] : memref<64x129xf32, #tpu.memory_space<vmem>> -> memref<8x128xf32, #tpu.memory_space<vmem>>
        %dma_wait3A_655 = arith.constant 0 : i32
        %dma_wait3A_656 = arith.constant 0 : i32
        %dma_wait3A_657 = tpu.memref_slice %arg4[%dma_wait3A_650, %dma_wait3A_651, %add3A, %dma_wait3A_655, %dma_wait3A_656] : memref<200x8x32x8x128xf32, #tpu.memory_space<hbm>> -> memref<1x1x1x8x128xf32, #tpu.memory_space<hbm>>
        %dma_wait3A_658 = tpu.memref_squeeze %dma_wait3A_657 : memref<1x1x1x8x128xf32, #tpu.memory_space<hbm>> -> memref<8x128xf32, #tpu.memory_space<hbm>>
        %dma_wait3A_659 = arith.constant 0 : i32
        %dma_wait3A_660 = arith.constant 0 : i32
        %dma_wait3A_661 = tpu.memref_slice %arg4[%dma_wait3A_650, %dma_wait3A_651, %add3A, %dma_wait3A_659, %dma_wait3A_660] : memref<200x8x32x8x128xf32, #tpu.memory_space<hbm>> -> memref<1x1x1x8x128xf32, #tpu.memory_space<hbm>>
        %dma_wait3A_662 = tpu.memref_squeeze %dma_wait3A_661 : memref<1x1x1x8x128xf32, #tpu.memory_space<hbm>> -> memref<8x128xf32, #tpu.memory_space<hbm>>
        %dma_wait3A_663 = arith.constant 40 : i32
        %dma_wait3A_664 = arith.constant 0 : i32
        %dma_wait3A_665 = tpu.memref_slice %arg9[%dma_wait3A_663, %dma_wait3A_664] : memref<64x129xf32, #tpu.memory_space<vmem>> -> memref<8x128xf32, #tpu.memory_space<vmem>>
        tpu.wait_dma2 semaphore(%arg13 : memref<!tpu.dma_semaphore, #tpu.memory_space<semaphore_mem>>) src(%dma_wait3A_665 : memref<8x128xf32, #tpu.memory_space<vmem>>) dst(%dma_wait3A_662 : memref<8x128xf32, #tpu.memory_space<hbm>>)
        %dma_wait3A_666 = arith.constant 0 : i32
        %dma_wait3A_667 = arith.constant 6 : i32
        %dma_wait3A_668 = arith.constant 48 : i32
        %dma_wait3A_669 = arith.constant 0 : i32
        %dma_wait3A_670 = tpu.memref_slice %arg9[%dma_wait3A_668, %dma_wait3A_669] : memref<64x129xf32, #tpu.memory_space<vmem>> -> memref<8x128xf32, #tpu.memory_space<vmem>>
        %dma_wait3A_671 = arith.constant 0 : i32
        %dma_wait3A_672 = arith.constant 0 : i32
        %dma_wait3A_673 = tpu.memref_slice %arg4[%dma_wait3A_666, %dma_wait3A_667, %add3A, %dma_wait3A_671, %dma_wait3A_672] : memref<200x8x32x8x128xf32, #tpu.memory_space<hbm>> -> memref<1x1x1x8x128xf32, #tpu.memory_space<hbm>>
        %dma_wait3A_674 = tpu.memref_squeeze %dma_wait3A_673 : memref<1x1x1x8x128xf32, #tpu.memory_space<hbm>> -> memref<8x128xf32, #tpu.memory_space<hbm>>
        %dma_wait3A_675 = arith.constant 0 : i32
        %dma_wait3A_676 = arith.constant 0 : i32
        %dma_wait3A_677 = tpu.memref_slice %arg4[%dma_wait3A_666, %dma_wait3A_667, %add3A, %dma_wait3A_675, %dma_wait3A_676] : memref<200x8x32x8x128xf32, #tpu.memory_space<hbm>> -> memref<1x1x1x8x128xf32, #tpu.memory_space<hbm>>
        %dma_wait3A_678 = tpu.memref_squeeze %dma_wait3A_677 : memref<1x1x1x8x128xf32, #tpu.memory_space<hbm>> -> memref<8x128xf32, #tpu.memory_space<hbm>>
        %dma_wait3A_679 = arith.constant 48 : i32
        %dma_wait3A_680 = arith.constant 0 : i32
        %dma_wait3A_681 = tpu.memref_slice %arg9[%dma_wait3A_679, %dma_wait3A_680] : memref<64x129xf32, #tpu.memory_space<vmem>> -> memref<8x128xf32, #tpu.memory_space<vmem>>
        tpu.wait_dma2 semaphore(%arg13 : memref<!tpu.dma_semaphore, #tpu.memory_space<semaphore_mem>>) src(%dma_wait3A_681 : memref<8x128xf32, #tpu.memory_space<vmem>>) dst(%dma_wait3A_678 : memref<8x128xf32, #tpu.memory_space<hbm>>)
        %dma_wait3A_682 = arith.constant 0 : i32
        %dma_wait3A_683 = arith.constant 7 : i32
        %dma_wait3A_684 = arith.constant 56 : i32
        %dma_wait3A_685 = arith.constant 0 : i32
        %dma_wait3A_686 = tpu.memref_slice %arg9[%dma_wait3A_684, %dma_wait3A_685] : memref<64x129xf32, #tpu.memory_space<vmem>> -> memref<8x128xf32, #tpu.memory_space<vmem>>
        %dma_wait3A_687 = arith.constant 0 : i32
        %dma_wait3A_688 = arith.constant 0 : i32
        %dma_wait3A_689 = tpu.memref_slice %arg4[%dma_wait3A_682, %dma_wait3A_683, %add3A, %dma_wait3A_687, %dma_wait3A_688] : memref<200x8x32x8x128xf32, #tpu.memory_space<hbm>> -> memref<1x1x1x8x128xf32, #tpu.memory_space<hbm>>
        %dma_wait3A_690 = tpu.memref_squeeze %dma_wait3A_689 : memref<1x1x1x8x128xf32, #tpu.memory_space<hbm>> -> memref<8x128xf32, #tpu.memory_space<hbm>>
        %dma_wait3A_691 = arith.constant 0 : i32
        %dma_wait3A_692 = arith.constant 0 : i32
        %dma_wait3A_693 = tpu.memref_slice %arg4[%dma_wait3A_682, %dma_wait3A_683, %add3A, %dma_wait3A_691, %dma_wait3A_692] : memref<200x8x32x8x128xf32, #tpu.memory_space<hbm>> -> memref<1x1x1x8x128xf32, #tpu.memory_space<hbm>>
        %dma_wait3A_694 = tpu.memref_squeeze %dma_wait3A_693 : memref<1x1x1x8x128xf32, #tpu.memory_space<hbm>> -> memref<8x128xf32, #tpu.memory_space<hbm>>
        %dma_wait3A_695 = arith.constant 56 : i32
        %dma_wait3A_696 = arith.constant 0 : i32
        %dma_wait3A_697 = tpu.memref_slice %arg9[%dma_wait3A_695, %dma_wait3A_696] : memref<64x129xf32, #tpu.memory_space<vmem>> -> memref<8x128xf32, #tpu.memory_space<vmem>>
        tpu.wait_dma2 semaphore(%arg13 : memref<!tpu.dma_semaphore, #tpu.memory_space<semaphore_mem>>) src(%dma_wait3A_697 : memref<8x128xf32, #tpu.memory_space<vmem>>) dst(%dma_wait3A_694 : memref<8x128xf32, #tpu.memory_space<hbm>>)
      } else {
      }
      %dma_wait3A_435 = arith.constant 0 : i32
      %dma_wait3A_436 = arith.constant 0 : i32
      %dma_wait3A_437 = tpu.memref_slice %arg5[%dma_wait3A_435, %dma_wait3A_436] : memref<200x128xi32, #tpu.memory_space<vmem>> -> memref<1x128xi32, #tpu.memory_space<vmem>>
      %dma_wait3A_438 = tpu.memref_squeeze %dma_wait3A_437 : memref<1x128xi32, #tpu.memory_space<vmem>> -> memref<128xi32, #tpu.memory_space<vmem>>
      %dma_wait3A_439 = arith.constant 0 : i32
      %dma_wait3A_440 = arith.constant 0 : i32
      %dma_wait3A_441 = tpu.memref_slice %arg2[%dma_wait3A_439, %dma_wait3A_440] : memref<1015808x64xf32, #tpu.memory_space<hbm>> -> memref<1015808x64xf32, #tpu.memory_space<hbm>>
      tpu.wait_indirect_dma semaphore(%arg11 : memref<!tpu.dma_semaphore, #tpu.memory_space<semaphore_mem>>) src(%dma_wait3A_441 : memref<1015808x64xf32, #tpu.memory_space<hbm>>) dst(%arg7 : memref<128x64xf32, #tpu.memory_space<vmem>>)
      %scan3A_442 = arith.constant 0 : i32
      %scan3A_443 = arith.constant 0 : i32
      %scan3A_444 = arith.constant 32 : i32
      %scan3A_445 = arith.addi %scan3A_443, %scan3A_444 : i32
      %scan3A_446 = arith.constant 1 : i32
      scf.for %scan3A_570 = %scan3A_443 to %scan3A_445 step %scan3A_446  : i32 {
        %mul3A_571 = arith.constant 4 : i32
        %mul3A_572 = arith.muli %mul3A_571, %scan3A_570 : i32
        %add3A_573 = arith.constant 0 : i32
        %add3A_574 = arith.addi %mul3A_572, %add3A_573 : i32
        %add3A_575 = vector.broadcast %add3A_574 : i32 to vector<16xi32>
        %add3A_576 = arith.addi %broadcast_in_dim3A_1, %add3A_575 : vector<16xi32>
        %add3A_577 = arith.constant 0 : i32
        %add3A_578 = arith.addi %mul3A_572, %add3A_577 : i32
        %get3A = arith.index_cast %add3A_578 : i32 to index
        %get3A_579 = arith.constant 0 : index
        %get3A_580 = tpu.vector_load %arg7[%get3A, %get3A_579] {strides = array<i32>} : memref<128x64xf32, #tpu.memory_space<vmem>>, vector<16xf32>,
        tpu.vector_store_idx %arg9[%add3A_4, %add3A_576], %get3A_580 : memref<64x129xf32, #tpu.memory_space<vmem>>[vector<16xi32>, vector<16xi32>], vector<16xf32>,
        %add3A_581 = arith.constant 0 : i32
        %add3A_582 = arith.addi %mul3A_572, %add3A_581 : i32
        %get3A_583 = arith.index_cast %add3A_582 : i32 to index
        %get3A_584 = arith.constant 16 : index
        %get3A_585 = tpu.vector_load %arg7[%get3A_583, %get3A_584] {strides = array<i32>} : memref<128x64xf32, #tpu.memory_space<vmem>>, vector<16xf32>,
        tpu.vector_store_idx %arg9[%add3A_7, %add3A_576], %get3A_585 : memref<64x129xf32, #tpu.memory_space<vmem>>[vector<16xi32>, vector<16xi32>], vector<16xf32>,
        %add3A_586 = arith.constant 0 : i32
        %add3A_587 = arith.addi %mul3A_572, %add3A_586 : i32
        %get3A_588 = arith.index_cast %add3A_587 : i32 to index
        %get3A_589 = arith.constant 32 : index
        %get3A_590 = tpu.vector_load %arg7[%get3A_588, %get3A_589] {strides = array<i32>} : memref<128x64xf32, #tpu.memory_space<vmem>>, vector<16xf32>,
        tpu.vector_store_idx %arg9[%add3A_10, %add3A_576], %get3A_590 : memref<64x129xf32, #tpu.memory_space<vmem>>[vector<16xi32>, vector<16xi32>], vector<16xf32>,
        %add3A_591 = arith.constant 0 : i32
        %add3A_592 = arith.addi %mul3A_572, %add3A_591 : i32
        %get3A_593 = arith.index_cast %add3A_592 : i32 to index
        %get3A_594 = arith.constant 48 : index
        %get3A_595 = tpu.vector_load %arg7[%get3A_593, %get3A_594] {strides = array<i32>} : memref<128x64xf32, #tpu.memory_space<vmem>>, vector<16xf32>,
        tpu.vector_store_idx %arg9[%add3A_13, %add3A_576], %get3A_595 : memref<64x129xf32, #tpu.memory_space<vmem>>[vector<16xi32>, vector<16xi32>], vector<16xf32>,
        %add3A_596 = arith.constant 1 : i32
        %add3A_597 = arith.addi %mul3A_572, %add3A_596 : i32
        %add3A_598 = vector.broadcast %add3A_597 : i32 to vector<16xi32>
        %add3A_599 = arith.addi %broadcast_in_dim3A_1, %add3A_598 : vector<16xi32>
        %add3A_600 = arith.constant 1 : i32
        %add3A_601 = arith.addi %mul3A_572, %add3A_600 : i32
        %get3A_602 = arith.index_cast %add3A_601 : i32 to index
        %get3A_603 = arith.constant 0 : index
        %get3A_604 = tpu.vector_load %arg7[%get3A_602, %get3A_603] {strides = array<i32>} : memref<128x64xf32, #tpu.memory_space<vmem>>, vector<16xf32>,
        tpu.vector_store_idx %arg9[%add3A_4, %add3A_599], %get3A_604 : memref<64x129xf32, #tpu.memory_space<vmem>>[vector<16xi32>, vector<16xi32>], vector<16xf32>,
        %add3A_605 = arith.constant 1 : i32
        %add3A_606 = arith.addi %mul3A_572, %add3A_605 : i32
        %get3A_607 = arith.index_cast %add3A_606 : i32 to index
        %get3A_608 = arith.constant 16 : index
        %get3A_609 = tpu.vector_load %arg7[%get3A_607, %get3A_608] {strides = array<i32>} : memref<128x64xf32, #tpu.memory_space<vmem>>, vector<16xf32>,
        tpu.vector_store_idx %arg9[%add3A_7, %add3A_599], %get3A_609 : memref<64x129xf32, #tpu.memory_space<vmem>>[vector<16xi32>, vector<16xi32>], vector<16xf32>,
        %add3A_610 = arith.constant 1 : i32
        %add3A_611 = arith.addi %mul3A_572, %add3A_610 : i32
        %get3A_612 = arith.index_cast %add3A_611 : i32 to index
        %get3A_613 = arith.constant 32 : index
        %get3A_614 = tpu.vector_load %arg7[%get3A_612, %get3A_613] {strides = array<i32>} : memref<128x64xf32, #tpu.memory_space<vmem>>, vector<16xf32>,
        tpu.vector_store_idx %arg9[%add3A_10, %add3A_599], %get3A_614 : memref<64x129xf32, #tpu.memory_space<vmem>>[vector<16xi32>, vector<16xi32>], vector<16xf32>,
        %add3A_615 = arith.constant 1 : i32
        %add3A_616 = arith.addi %mul3A_572, %add3A_615 : i32
        %get3A_617 = arith.index_cast %add3A_616 : i32 to index
        %get3A_618 = arith.constant 48 : index
        %get3A_619 = tpu.vector_load %arg7[%get3A_617, %get3A_618] {strides = array<i32>} : memref<128x64xf32, #tpu.memory_space<vmem>>, vector<16xf32>,
        tpu.vector_store_idx %arg9[%add3A_13, %add3A_599], %get3A_619 : memref<64x129xf32, #tpu.memory_space<vmem>>[vector<16xi32>, vector<16xi32>], vector<16xf32>,
        %add3A_620 = arith.constant 2 : i32
        %add3A_621 = arith.addi %mul3A_572, %add3A_620 : i32
        %add3A_622 = vector.broadcast %add3A_621 : i32 to vector<16xi32>
        %add3A_623 = arith.addi %broadcast_in_dim3A_1, %add3A_622 : vector<16xi32>
        %add3A_624 = arith.constant 2 : i32
        %add3A_625 = arith.addi %mul3A_572, %add3A_624 : i32
        %get3A_626 = arith.index_cast %add3A_625 : i32 to index
        %get3A_627 = arith.constant 0 : index
        %get3A_628 = tpu.vector_load %arg7[%get3A_626, %get3A_627] {strides = array<i32>} : memref<128x64xf32, #tpu.memory_space<vmem>>, vector<16xf32>,
        tpu.vector_store_idx %arg9[%add3A_4, %add3A_623], %get3A_628 : memref<64x129xf32, #tpu.memory_space<vmem>>[vector<16xi32>, vector<16xi32>], vector<16xf32>,
        %add3A_629 = arith.constant 2 : i32
        %add3A_630 = arith.addi %mul3A_572, %add3A_629 : i32
        %get3A_631 = arith.index_cast %add3A_630 : i32 to index
        %get3A_632 = arith.constant 16 : index
        %get3A_633 = tpu.vector_load %arg7[%get3A_631, %get3A_632] {strides = array<i32>} : memref<128x64xf32, #tpu.memory_space<vmem>>, vector<16xf32>,
        tpu.vector_store_idx %arg9[%add3A_7, %add3A_623], %get3A_633 : memref<64x129xf32, #tpu.memory_space<vmem>>[vector<16xi32>, vector<16xi32>], vector<16xf32>,
        %add3A_634 = arith.constant 2 : i32
        %add3A_635 = arith.addi %mul3A_572, %add3A_634 : i32
        %get3A_636 = arith.index_cast %add3A_635 : i32 to index
        %get3A_637 = arith.constant 32 : index
        %get3A_638 = tpu.vector_load %arg7[%get3A_636, %get3A_637] {strides = array<i32>} : memref<128x64xf32, #tpu.memory_space<vmem>>, vector<16xf32>,
        tpu.vector_store_idx %arg9[%add3A_10, %add3A_623], %get3A_638 : memref<64x129xf32, #tpu.memory_space<vmem>>[vector<16xi32>, vector<16xi32>], vector<16xf32>,
        %add3A_639 = arith.constant 2 : i32
        %add3A_640 = arith.addi %mul3A_572, %add3A_639 : i32
        %get3A_641 = arith.index_cast %add3A_640 : i32 to index
        %get3A_642 = arith.constant 48 : index
        %get3A_643 = tpu.vector_load %arg7[%get3A_641, %get3A_642] {strides = array<i32>} : memref<128x64xf32, #tpu.memory_space<vmem>>, vector<16xf32>,
        tpu.vector_store_idx %arg9[%add3A_13, %add3A_623], %get3A_643 : memref<64x129xf32, #tpu.memory_space<vmem>>[vector<16xi32>, vector<16xi32>], vector<16xf32>,
        %add3A_644 = arith.constant 3 : i32
        %add3A_645 = arith.addi %mul3A_572, %add3A_644 : i32
        %add3A_646 = vector.broadcast %add3A_645 : i32 to vector<16xi32>
        %add3A_647 = arith.addi %broadcast_in_dim3A_1, %add3A_646 : vector<16xi32>
        %add3A_648 = arith.constant 3 : i32
        %add3A_649 = arith.addi %mul3A_572, %add3A_648 : i32
        %get3A_650 = arith.index_cast %add3A_649 : i32 to index
        %get3A_651 = arith.constant 0 : index
        %get3A_652 = tpu.vector_load %arg7[%get3A_650, %get3A_651] {strides = array<i32>} : memref<128x64xf32, #tpu.memory_space<vmem>>, vector<16xf32>,
        tpu.vector_store_idx %arg9[%add3A_4, %add3A_647], %get3A_652 : memref<64x129xf32, #tpu.memory_space<vmem>>[vector<16xi32>, vector<16xi32>], vector<16xf32>,
        %add3A_653 = arith.constant 3 : i32
        %add3A_654 = arith.addi %mul3A_572, %add3A_653 : i32
        %get3A_655 = arith.index_cast %add3A_654 : i32 to index
        %get3A_656 = arith.constant 16 : index
        %get3A_657 = tpu.vector_load %arg7[%get3A_655, %get3A_656] {strides = array<i32>} : memref<128x64xf32, #tpu.memory_space<vmem>>, vector<16xf32>,
        tpu.vector_store_idx %arg9[%add3A_7, %add3A_647], %get3A_657 : memref<64x129xf32, #tpu.memory_space<vmem>>[vector<16xi32>, vector<16xi32>], vector<16xf32>,
        %add3A_658 = arith.constant 3 : i32
        %add3A_659 = arith.addi %mul3A_572, %add3A_658 : i32
        %get3A_660 = arith.index_cast %add3A_659 : i32 to index
        %get3A_661 = arith.constant 32 : index
        %get3A_662 = tpu.vector_load %arg7[%get3A_660, %get3A_661] {strides = array<i32>} : memref<128x64xf32, #tpu.memory_space<vmem>>, vector<16xf32>,
        tpu.vector_store_idx %arg9[%add3A_10, %add3A_647], %get3A_662 : memref<64x129xf32, #tpu.memory_space<vmem>>[vector<16xi32>, vector<16xi32>], vector<16xf32>,
        %add3A_663 = arith.constant 3 : i32
        %add3A_664 = arith.addi %mul3A_572, %add3A_663 : i32
        %get3A_665 = arith.index_cast %add3A_664 : i32 to index
        %get3A_666 = arith.constant 48 : index
        %get3A_667 = tpu.vector_load %arg7[%get3A_665, %get3A_666] {strides = array<i32>} : memref<128x64xf32, #tpu.memory_space<vmem>>, vector<16xf32>,
        tpu.vector_store_idx %arg9[%add3A_13, %add3A_647], %get3A_667 : memref<64x129xf32, #tpu.memory_space<vmem>>[vector<16xi32>, vector<16xi32>], vector<16xf32>,
      }
      %scan3A_447 = arith.constant 32 : i32
      %add3A_448 = arith.constant 1 : i32
      %add3A_449 = arith.addi %mul3A_282, %add3A_448 : i32
      %dma_start3A_450 = arith.constant 0 : i32
      %dma_start3A_451 = arith.constant 0 : i32
      %dma_start3A_452 = arith.constant 0 : i32
      %dma_start3A_453 = tpu.memref_slice %arg9[%dma_start3A_451, %dma_start3A_452] : memref<64x129xf32, #tpu.memory_space<vmem>> -> memref<8x128xf32, #tpu.memory_space<vmem>>
      %dma_start3A_454 = arith.constant 0 : i32
      %dma_start3A_455 = arith.constant 0 : i32
      %dma_start3A_456 = tpu.memref_slice %arg4[%add3A_449, %dma_start3A_450, %add3A, %dma_start3A_454, %dma_start3A_455] : memref<200x8x32x8x128xf32, #tpu.memory_space<hbm>> -> memref<1x1x1x8x128xf32, #tpu.memory_space<hbm>>
      %dma_start3A_457 = tpu.memref_squeeze %dma_start3A_456 : memref<1x1x1x8x128xf32, #tpu.memory_space<hbm>> -> memref<8x128xf32, #tpu.memory_space<hbm>>
      %dma_start3A_458 = arith.constant 0 : i32
      %dma_start3A_459 = arith.constant 0 : i32
      %dma_start3A_460 = tpu.memref_slice %arg4[%add3A_449, %dma_start3A_450, %add3A, %dma_start3A_458, %dma_start3A_459] : memref<200x8x32x8x128xf32, #tpu.memory_space<hbm>> -> memref<1x1x1x8x128xf32, #tpu.memory_space<hbm>>
      %dma_start3A_461 = tpu.memref_squeeze %dma_start3A_460 : memref<1x1x1x8x128xf32, #tpu.memory_space<hbm>> -> memref<8x128xf32, #tpu.memory_space<hbm>>
      %dma_start3A_462 = arith.constant 0 : i32
      %dma_start3A_463 = arith.constant 0 : i32
      %dma_start3A_464 = tpu.memref_slice %arg9[%dma_start3A_462, %dma_start3A_463] : memref<64x129xf32, #tpu.memory_space<vmem>> -> memref<8x128xf32, #tpu.memory_space<vmem>>
      tpu.enqueue_dma source(%dma_start3A_464 : memref<8x128xf32, #tpu.memory_space<vmem>>) target(%dma_start3A_461 : memref<8x128xf32, #tpu.memory_space<hbm>>) target_semaphore(%arg13 : memref<!tpu.dma_semaphore, #tpu.memory_space<semaphore_mem>>)
      %dma_start3A_465 = arith.constant 1 : i32
      %dma_start3A_466 = arith.constant 8 : i32
      %dma_start3A_467 = arith.constant 0 : i32
      %dma_start3A_468 = tpu.memref_slice %arg9[%dma_start3A_466, %dma_start3A_467] : memref<64x129xf32, #tpu.memory_space<vmem>> -> memref<8x128xf32, #tpu.memory_space<vmem>>
      %dma_start3A_469 = arith.constant 0 : i32
      %dma_start3A_470 = arith.constant 0 : i32
      %dma_start3A_471 = tpu.memref_slice %arg4[%add3A_449, %dma_start3A_465, %add3A, %dma_start3A_469, %dma_start3A_470] : memref<200x8x32x8x128xf32, #tpu.memory_space<hbm>> -> memref<1x1x1x8x128xf32, #tpu.memory_space<hbm>>
      %dma_start3A_472 = tpu.memref_squeeze %dma_start3A_471 : memref<1x1x1x8x128xf32, #tpu.memory_space<hbm>> -> memref<8x128xf32, #tpu.memory_space<hbm>>
      %dma_start3A_473 = arith.constant 0 : i32
      %dma_start3A_474 = arith.constant 0 : i32
      %dma_start3A_475 = tpu.memref_slice %arg4[%add3A_449, %dma_start3A_465, %add3A, %dma_start3A_473, %dma_start3A_474] : memref<200x8x32x8x128xf32, #tpu.memory_space<hbm>> -> memref<1x1x1x8x128xf32, #tpu.memory_space<hbm>>
      %dma_start3A_476 = tpu.memref_squeeze %dma_start3A_475 : memref<1x1x1x8x128xf32, #tpu.memory_space<hbm>> -> memref<8x128xf32, #tpu.memory_space<hbm>>
      %dma_start3A_477 = arith.constant 8 : i32
      %dma_start3A_478 = arith.constant 0 : i32
      %dma_start3A_479 = tpu.memref_slice %arg9[%dma_start3A_477, %dma_start3A_478] : memref<64x129xf32, #tpu.memory_space<vmem>> -> memref<8x128xf32, #tpu.memory_space<vmem>>
      tpu.enqueue_dma source(%dma_start3A_479 : memref<8x128xf32, #tpu.memory_space<vmem>>) target(%dma_start3A_476 : memref<8x128xf32, #tpu.memory_space<hbm>>) target_semaphore(%arg13 : memref<!tpu.dma_semaphore, #tpu.memory_space<semaphore_mem>>)
      %dma_start3A_480 = arith.constant 2 : i32
      %dma_start3A_481 = arith.constant 16 : i32
      %dma_start3A_482 = arith.constant 0 : i32
      %dma_start3A_483 = tpu.memref_slice %arg9[%dma_start3A_481, %dma_start3A_482] : memref<64x129xf32, #tpu.memory_space<vmem>> -> memref<8x128xf32, #tpu.memory_space<vmem>>
      %dma_start3A_484 = arith.constant 0 : i32
      %dma_start3A_485 = arith.constant 0 : i32
      %dma_start3A_486 = tpu.memref_slice %arg4[%add3A_449, %dma_start3A_480, %add3A, %dma_start3A_484, %dma_start3A_485] : memref<200x8x32x8x128xf32, #tpu.memory_space<hbm>> -> memref<1x1x1x8x128xf32, #tpu.memory_space<hbm>>
      %dma_start3A_487 = tpu.memref_squeeze %dma_start3A_486 : memref<1x1x1x8x128xf32, #tpu.memory_space<hbm>> -> memref<8x128xf32, #tpu.memory_space<hbm>>
      %dma_start3A_488 = arith.constant 0 : i32
      %dma_start3A_489 = arith.constant 0 : i32
      %dma_start3A_490 = tpu.memref_slice %arg4[%add3A_449, %dma_start3A_480, %add3A, %dma_start3A_488, %dma_start3A_489] : memref<200x8x32x8x128xf32, #tpu.memory_space<hbm>> -> memref<1x1x1x8x128xf32, #tpu.memory_space<hbm>>
      %dma_start3A_491 = tpu.memref_squeeze %dma_start3A_490 : memref<1x1x1x8x128xf32, #tpu.memory_space<hbm>> -> memref<8x128xf32, #tpu.memory_space<hbm>>
      %dma_start3A_492 = arith.constant 16 : i32
      %dma_start3A_493 = arith.constant 0 : i32
      %dma_start3A_494 = tpu.memref_slice %arg9[%dma_start3A_492, %dma_start3A_493] : memref<64x129xf32, #tpu.memory_space<vmem>> -> memref<8x128xf32, #tpu.memory_space<vmem>>
      tpu.enqueue_dma source(%dma_start3A_494 : memref<8x128xf32, #tpu.memory_space<vmem>>) target(%dma_start3A_491 : memref<8x128xf32, #tpu.memory_space<hbm>>) target_semaphore(%arg13 : memref<!tpu.dma_semaphore, #tpu.memory_space<semaphore_mem>>)
      %dma_start3A_495 = arith.constant 3 : i32
      %dma_start3A_496 = arith.constant 24 : i32
      %dma_start3A_497 = arith.constant 0 : i32
      %dma_start3A_498 = tpu.memref_slice %arg9[%dma_start3A_496, %dma_start3A_497] : memref<64x129xf32, #tpu.memory_space<vmem>> -> memref<8x128xf32, #tpu.memory_space<vmem>>
      %dma_start3A_499 = arith.constant 0 : i32
      %dma_start3A_500 = arith.constant 0 : i32
      %dma_start3A_501 = tpu.memref_slice %arg4[%add3A_449, %dma_start3A_495, %add3A, %dma_start3A_499, %dma_start3A_500] : memref<200x8x32x8x128xf32, #tpu.memory_space<hbm>> -> memref<1x1x1x8x128xf32, #tpu.memory_space<hbm>>
      %dma_start3A_502 = tpu.memref_squeeze %dma_start3A_501 : memref<1x1x1x8x128xf32, #tpu.memory_space<hbm>> -> memref<8x128xf32, #tpu.memory_space<hbm>>
      %dma_start3A_503 = arith.constant 0 : i32
      %dma_start3A_504 = arith.constant 0 : i32
      %dma_start3A_505 = tpu.memref_slice %arg4[%add3A_449, %dma_start3A_495, %add3A, %dma_start3A_503, %dma_start3A_504] : memref<200x8x32x8x128xf32, #tpu.memory_space<hbm>> -> memref<1x1x1x8x128xf32, #tpu.memory_space<hbm>>
      %dma_start3A_506 = tpu.memref_squeeze %dma_start3A_505 : memref<1x1x1x8x128xf32, #tpu.memory_space<hbm>> -> memref<8x128xf32, #tpu.memory_space<hbm>>
      %dma_start3A_507 = arith.constant 24 : i32
      %dma_start3A_508 = arith.constant 0 : i32
      %dma_start3A_509 = tpu.memref_slice %arg9[%dma_start3A_507, %dma_start3A_508] : memref<64x129xf32, #tpu.memory_space<vmem>> -> memref<8x128xf32, #tpu.memory_space<vmem>>
      tpu.enqueue_dma source(%dma_start3A_509 : memref<8x128xf32, #tpu.memory_space<vmem>>) target(%dma_start3A_506 : memref<8x128xf32, #tpu.memory_space<hbm>>) target_semaphore(%arg13 : memref<!tpu.dma_semaphore, #tpu.memory_space<semaphore_mem>>)
      %dma_start3A_510 = arith.constant 4 : i32
      %dma_start3A_511 = arith.constant 32 : i32
      %dma_start3A_512 = arith.constant 0 : i32
      %dma_start3A_513 = tpu.memref_slice %arg9[%dma_start3A_511, %dma_start3A_512] : memref<64x129xf32, #tpu.memory_space<vmem>> -> memref<8x128xf32, #tpu.memory_space<vmem>>
      %dma_start3A_514 = arith.constant 0 : i32
      %dma_start3A_515 = arith.constant 0 : i32
      %dma_start3A_516 = tpu.memref_slice %arg4[%add3A_449, %dma_start3A_510, %add3A, %dma_start3A_514, %dma_start3A_515] : memref<200x8x32x8x128xf32, #tpu.memory_space<hbm>> -> memref<1x1x1x8x128xf32, #tpu.memory_space<hbm>>
      %dma_start3A_517 = tpu.memref_squeeze %dma_start3A_516 : memref<1x1x1x8x128xf32, #tpu.memory_space<hbm>> -> memref<8x128xf32, #tpu.memory_space<hbm>>
      %dma_start3A_518 = arith.constant 0 : i32
      %dma_start3A_519 = arith.constant 0 : i32
      %dma_start3A_520 = tpu.memref_slice %arg4[%add3A_449, %dma_start3A_510, %add3A, %dma_start3A_518, %dma_start3A_519] : memref<200x8x32x8x128xf32, #tpu.memory_space<hbm>> -> memref<1x1x1x8x128xf32, #tpu.memory_space<hbm>>
      %dma_start3A_521 = tpu.memref_squeeze %dma_start3A_520 : memref<1x1x1x8x128xf32, #tpu.memory_space<hbm>> -> memref<8x128xf32, #tpu.memory_space<hbm>>
      %dma_start3A_522 = arith.constant 32 : i32
      %dma_start3A_523 = arith.constant 0 : i32
      %dma_start3A_524 = tpu.memref_slice %arg9[%dma_start3A_522, %dma_start3A_523] : memref<64x129xf32, #tpu.memory_space<vmem>> -> memref<8x128xf32, #tpu.memory_space<vmem>>
      tpu.enqueue_dma source(%dma_start3A_524 : memref<8x128xf32, #tpu.memory_space<vmem>>) target(%dma_start3A_521 : memref<8x128xf32, #tpu.memory_space<hbm>>) target_semaphore(%arg13 : memref<!tpu.dma_semaphore, #tpu.memory_space<semaphore_mem>>)
      %dma_start3A_525 = arith.constant 5 : i32
      %dma_start3A_526 = arith.constant 40 : i32
      %dma_start3A_527 = arith.constant 0 : i32
      %dma_start3A_528 = tpu.memref_slice %arg9[%dma_start3A_526, %dma_start3A_527] : memref<64x129xf32, #tpu.memory_space<vmem>> -> memref<8x128xf32, #tpu.memory_space<vmem>>
      %dma_start3A_529 = arith.constant 0 : i32
      %dma_start3A_530 = arith.constant 0 : i32
      %dma_start3A_531 = tpu.memref_slice %arg4[%add3A_449, %dma_start3A_525, %add3A, %dma_start3A_529, %dma_start3A_530] : memref<200x8x32x8x128xf32, #tpu.memory_space<hbm>> -> memref<1x1x1x8x128xf32, #tpu.memory_space<hbm>>
      %dma_start3A_532 = tpu.memref_squeeze %dma_start3A_531 : memref<1x1x1x8x128xf32, #tpu.memory_space<hbm>> -> memref<8x128xf32, #tpu.memory_space<hbm>>
      %dma_start3A_533 = arith.constant 0 : i32
      %dma_start3A_534 = arith.constant 0 : i32
      %dma_start3A_535 = tpu.memref_slice %arg4[%add3A_449, %dma_start3A_525, %add3A, %dma_start3A_533, %dma_start3A_534] : memref<200x8x32x8x128xf32, #tpu.memory_space<hbm>> -> memref<1x1x1x8x128xf32, #tpu.memory_space<hbm>>
      %dma_start3A_536 = tpu.memref_squeeze %dma_start3A_535 : memref<1x1x1x8x128xf32, #tpu.memory_space<hbm>> -> memref<8x128xf32, #tpu.memory_space<hbm>>
      %dma_start3A_537 = arith.constant 40 : i32
      %dma_start3A_538 = arith.constant 0 : i32
      %dma_start3A_539 = tpu.memref_slice %arg9[%dma_start3A_537, %dma_start3A_538] : memref<64x129xf32, #tpu.memory_space<vmem>> -> memref<8x128xf32, #tpu.memory_space<vmem>>
      tpu.enqueue_dma source(%dma_start3A_539 : memref<8x128xf32, #tpu.memory_space<vmem>>) target(%dma_start3A_536 : memref<8x128xf32, #tpu.memory_space<hbm>>) target_semaphore(%arg13 : memref<!tpu.dma_semaphore, #tpu.memory_space<semaphore_mem>>)
      %dma_start3A_540 = arith.constant 6 : i32
      %dma_start3A_541 = arith.constant 48 : i32
      %dma_start3A_542 = arith.constant 0 : i32
      %dma_start3A_543 = tpu.memref_slice %arg9[%dma_start3A_541, %dma_start3A_542] : memref<64x129xf32, #tpu.memory_space<vmem>> -> memref<8x128xf32, #tpu.memory_space<vmem>>
      %dma_start3A_544 = arith.constant 0 : i32
      %dma_start3A_545 = arith.constant 0 : i32
      %dma_start3A_546 = tpu.memref_slice %arg4[%add3A_449, %dma_start3A_540, %add3A, %dma_start3A_544, %dma_start3A_545] : memref<200x8x32x8x128xf32, #tpu.memory_space<hbm>> -> memref<1x1x1x8x128xf32, #tpu.memory_space<hbm>>
      %dma_start3A_547 = tpu.memref_squeeze %dma_start3A_546 : memref<1x1x1x8x128xf32, #tpu.memory_space<hbm>> -> memref<8x128xf32, #tpu.memory_space<hbm>>
      %dma_start3A_548 = arith.constant 0 : i32
      %dma_start3A_549 = arith.constant 0 : i32
      %dma_start3A_550 = tpu.memref_slice %arg4[%add3A_449, %dma_start3A_540, %add3A, %dma_start3A_548, %dma_start3A_549] : memref<200x8x32x8x128xf32, #tpu.memory_space<hbm>> -> memref<1x1x1x8x128xf32, #tpu.memory_space<hbm>>
      %dma_start3A_551 = tpu.memref_squeeze %dma_start3A_550 : memref<1x1x1x8x128xf32, #tpu.memory_space<hbm>> -> memref<8x128xf32, #tpu.memory_space<hbm>>
      %dma_start3A_552 = arith.constant 48 : i32
      %dma_start3A_553 = arith.constant 0 : i32
      %dma_start3A_554 = tpu.memref_slice %arg9[%dma_start3A_552, %dma_start3A_553] : memref<64x129xf32, #tpu.memory_space<vmem>> -> memref<8x128xf32, #tpu.memory_space<vmem>>
      tpu.enqueue_dma source(%dma_start3A_554 : memref<8x128xf32, #tpu.memory_space<vmem>>) target(%dma_start3A_551 : memref<8x128xf32, #tpu.memory_space<hbm>>) target_semaphore(%arg13 : memref<!tpu.dma_semaphore, #tpu.memory_space<semaphore_mem>>)
      %dma_start3A_555 = arith.constant 7 : i32
      %dma_start3A_556 = arith.constant 56 : i32
      %dma_start3A_557 = arith.constant 0 : i32
      %dma_start3A_558 = tpu.memref_slice %arg9[%dma_start3A_556, %dma_start3A_557] : memref<64x129xf32, #tpu.memory_space<vmem>> -> memref<8x128xf32, #tpu.memory_space<vmem>>
      %dma_start3A_559 = arith.constant 0 : i32
      %dma_start3A_560 = arith.constant 0 : i32
      %dma_start3A_561 = tpu.memref_slice %arg4[%add3A_449, %dma_start3A_555, %add3A, %dma_start3A_559, %dma_start3A_560] : memref<200x8x32x8x128xf32, #tpu.memory_space<hbm>> -> memref<1x1x1x8x128xf32, #tpu.memory_space<hbm>>
      %dma_start3A_562 = tpu.memref_squeeze %dma_start3A_561 : memref<1x1x1x8x128xf32, #tpu.memory_space<hbm>> -> memref<8x128xf32, #tpu.memory_space<hbm>>
      %dma_start3A_563 = arith.constant 0 : i32
      %dma_start3A_564 = arith.constant 0 : i32
      %dma_start3A_565 = tpu.memref_slice %arg4[%add3A_449, %dma_start3A_555, %add3A, %dma_start3A_563, %dma_start3A_564] : memref<200x8x32x8x128xf32, #tpu.memory_space<hbm>> -> memref<1x1x1x8x128xf32, #tpu.memory_space<hbm>>
      %dma_start3A_566 = tpu.memref_squeeze %dma_start3A_565 : memref<1x1x1x8x128xf32, #tpu.memory_space<hbm>> -> memref<8x128xf32, #tpu.memory_space<hbm>>
      %dma_start3A_567 = arith.constant 56 : i32
      %dma_start3A_568 = arith.constant 0 : i32
      %dma_start3A_569 = tpu.memref_slice %arg9[%dma_start3A_567, %dma_start3A_568] : memref<64x129xf32, #tpu.memory_space<vmem>> -> memref<8x128xf32, #tpu.memory_space<vmem>>
      tpu.enqueue_dma source(%dma_start3A_569 : memref<8x128xf32, #tpu.memory_space<vmem>>) target(%dma_start3A_566 : memref<8x128xf32, #tpu.memory_space<hbm>>) target_semaphore(%arg13 : memref<!tpu.dma_semaphore, #tpu.memory_space<semaphore_mem>>)
    }
    %scan3A_24 = arith.constant 100 : i32
    %dma_wait3A = arith.constant 0 : i32
    %dma_wait3A_25 = arith.constant 0 : i32
    %dma_wait3A_26 = arith.constant 0 : i32
    %dma_wait3A_27 = arith.constant 0 : i32
    %dma_wait3A_28 = tpu.memref_slice %arg8[%dma_wait3A_26, %dma_wait3A_27] : memref<64x129xf32, #tpu.memory_space<vmem>> -> memref<8x128xf32, #tpu.memory_space<vmem>>
    %dma_wait3A_29 = arith.constant 0 : i32
    %dma_wait3A_30 = arith.constant 0 : i32
    %dma_wait3A_31 = tpu.memref_slice %arg4[%dma_wait3A, %dma_wait3A_25, %add3A, %dma_wait3A_29, %dma_wait3A_30] : memref<200x8x32x8x128xf32, #tpu.memory_space<hbm>> -> memref<1x1x1x8x128xf32, #tpu.memory_space<hbm>>
    %dma_wait3A_32 = tpu.memref_squeeze %dma_wait3A_31 : memref<1x1x1x8x128xf32, #tpu.memory_space<hbm>> -> memref<8x128xf32, #tpu.memory_space<hbm>>
    %dma_wait3A_33 = arith.constant 0 : i32
    %dma_wait3A_34 = arith.constant 0 : i32
    %dma_wait3A_35 = tpu.memref_slice %arg4[%dma_wait3A, %dma_wait3A_25, %add3A, %dma_wait3A_33, %dma_wait3A_34] : memref<200x8x32x8x128xf32, #tpu.memory_space<hbm>> -> memref<1x1x1x8x128xf32, #tpu.memory_space<hbm>>
    %dma_wait3A_36 = tpu.memref_squeeze %dma_wait3A_35 : memref<1x1x1x8x128xf32, #tpu.memory_space<hbm>> -> memref<8x128xf32, #tpu.memory_space<hbm>>
    %dma_wait3A_37 = arith.constant 0 : i32
    %dma_wait3A_38 = arith.constant 0 : i32
    %dma_wait3A_39 = tpu.memref_slice %arg8[%dma_wait3A_37, %dma_wait3A_38] : memref<64x129xf32, #tpu.memory_space<vmem>> -> memref<8x128xf32, #tpu.memory_space<vmem>>
    tpu.wait_dma2 semaphore(%arg12 : memref<!tpu.dma_semaphore, #tpu.memory_space<semaphore_mem>>) src(%dma_wait3A_39 : memref<8x128xf32, #tpu.memory_space<vmem>>) dst(%dma_wait3A_36 : memref<8x128xf32, #tpu.memory_space<hbm>>)
    %dma_wait3A_40 = arith.constant 0 : i32
    %dma_wait3A_41 = arith.constant 1 : i32
    %dma_wait3A_42 = arith.constant 8 : i32
    %dma_wait3A_43 = arith.constant 0 : i32
    %dma_wait3A_44 = tpu.memref_slice %arg8[%dma_wait3A_42, %dma_wait3A_43] : memref<64x129xf32, #tpu.memory_space<vmem>> -> memref<8x128xf32, #tpu.memory_space<vmem>>
    %dma_wait3A_45 = arith.constant 0 : i32
    %dma_wait3A_46 = arith.constant 0 : i32
    %dma_wait3A_47 = tpu.memref_slice %arg4[%dma_wait3A_40, %dma_wait3A_41, %add3A, %dma_wait3A_45, %dma_wait3A_46] : memref<200x8x32x8x128xf32, #tpu.memory_space<hbm>> -> memref<1x1x1x8x128xf32, #tpu.memory_space<hbm>>
    %dma_wait3A_48 = tpu.memref_squeeze %dma_wait3A_47 : memref<1x1x1x8x128xf32, #tpu.memory_space<hbm>> -> memref<8x128xf32, #tpu.memory_space<hbm>>
    %dma_wait3A_49 = arith.constant 0 : i32
    %dma_wait3A_50 = arith.constant 0 : i32
    %dma_wait3A_51 = tpu.memref_slice %arg4[%dma_wait3A_40, %dma_wait3A_41, %add3A, %dma_wait3A_49, %dma_wait3A_50] : memref<200x8x32x8x128xf32, #tpu.memory_space<hbm>> -> memref<1x1x1x8x128xf32, #tpu.memory_space<hbm>>
    %dma_wait3A_52 = tpu.memref_squeeze %dma_wait3A_51 : memref<1x1x1x8x128xf32, #tpu.memory_space<hbm>> -> memref<8x128xf32, #tpu.memory_space<hbm>>
    %dma_wait3A_53 = arith.constant 8 : i32
    %dma_wait3A_54 = arith.constant 0 : i32
    %dma_wait3A_55 = tpu.memref_slice %arg8[%dma_wait3A_53, %dma_wait3A_54] : memref<64x129xf32, #tpu.memory_space<vmem>> -> memref<8x128xf32, #tpu.memory_space<vmem>>
    tpu.wait_dma2 semaphore(%arg12 : memref<!tpu.dma_semaphore, #tpu.memory_space<semaphore_mem>>) src(%dma_wait3A_55 : memref<8x128xf32, #tpu.memory_space<vmem>>) dst(%dma_wait3A_52 : memref<8x128xf32, #tpu.memory_space<hbm>>)
    %dma_wait3A_56 = arith.constant 0 : i32
    %dma_wait3A_57 = arith.constant 2 : i32
    %dma_wait3A_58 = arith.constant 16 : i32
    %dma_wait3A_59 = arith.constant 0 : i32
    %dma_wait3A_60 = tpu.memref_slice %arg8[%dma_wait3A_58, %dma_wait3A_59] : memref<64x129xf32, #tpu.memory_space<vmem>> -> memref<8x128xf32, #tpu.memory_space<vmem>>
    %dma_wait3A_61 = arith.constant 0 : i32
    %dma_wait3A_62 = arith.constant 0 : i32
    %dma_wait3A_63 = tpu.memref_slice %arg4[%dma_wait3A_56, %dma_wait3A_57, %add3A, %dma_wait3A_61, %dma_wait3A_62] : memref<200x8x32x8x128xf32, #tpu.memory_space<hbm>> -> memref<1x1x1x8x128xf32, #tpu.memory_space<hbm>>
    %dma_wait3A_64 = tpu.memref_squeeze %dma_wait3A_63 : memref<1x1x1x8x128xf32, #tpu.memory_space<hbm>> -> memref<8x128xf32, #tpu.memory_space<hbm>>
    %dma_wait3A_65 = arith.constant 0 : i32
    %dma_wait3A_66 = arith.constant 0 : i32
    %dma_wait3A_67 = tpu.memref_slice %arg4[%dma_wait3A_56, %dma_wait3A_57, %add3A, %dma_wait3A_65, %dma_wait3A_66] : memref<200x8x32x8x128xf32, #tpu.memory_space<hbm>> -> memref<1x1x1x8x128xf32, #tpu.memory_space<hbm>>
    %dma_wait3A_68 = tpu.memref_squeeze %dma_wait3A_67 : memref<1x1x1x8x128xf32, #tpu.memory_space<hbm>> -> memref<8x128xf32, #tpu.memory_space<hbm>>
    %dma_wait3A_69 = arith.constant 16 : i32
    %dma_wait3A_70 = arith.constant 0 : i32
    %dma_wait3A_71 = tpu.memref_slice %arg8[%dma_wait3A_69, %dma_wait3A_70] : memref<64x129xf32, #tpu.memory_space<vmem>> -> memref<8x128xf32, #tpu.memory_space<vmem>>
    tpu.wait_dma2 semaphore(%arg12 : memref<!tpu.dma_semaphore, #tpu.memory_space<semaphore_mem>>) src(%dma_wait3A_71 : memref<8x128xf32, #tpu.memory_space<vmem>>) dst(%dma_wait3A_68 : memref<8x128xf32, #tpu.memory_space<hbm>>)
    %dma_wait3A_72 = arith.constant 0 : i32
    %dma_wait3A_73 = arith.constant 3 : i32
    %dma_wait3A_74 = arith.constant 24 : i32
    %dma_wait3A_75 = arith.constant 0 : i32
    %dma_wait3A_76 = tpu.memref_slice %arg8[%dma_wait3A_74, %dma_wait3A_75] : memref<64x129xf32, #tpu.memory_space<vmem>> -> memref<8x128xf32, #tpu.memory_space<vmem>>
    %dma_wait3A_77 = arith.constant 0 : i32
    %dma_wait3A_78 = arith.constant 0 : i32
    %dma_wait3A_79 = tpu.memref_slice %arg4[%dma_wait3A_72, %dma_wait3A_73, %add3A, %dma_wait3A_77, %dma_wait3A_78] : memref<200x8x32x8x128xf32, #tpu.memory_space<hbm>> -> memref<1x1x1x8x128xf32, #tpu.memory_space<hbm>>
    %dma_wait3A_80 = tpu.memref_squeeze %dma_wait3A_79 : memref<1x1x1x8x128xf32, #tpu.memory_space<hbm>> -> memref<8x128xf32, #tpu.memory_space<hbm>>
    %dma_wait3A_81 = arith.constant 0 : i32
    %dma_wait3A_82 = arith.constant 0 : i32
    %dma_wait3A_83 = tpu.memref_slice %arg4[%dma_wait3A_72, %dma_wait3A_73, %add3A, %dma_wait3A_81, %dma_wait3A_82] : memref<200x8x32x8x128xf32, #tpu.memory_space<hbm>> -> memref<1x1x1x8x128xf32, #tpu.memory_space<hbm>>
    %dma_wait3A_84 = tpu.memref_squeeze %dma_wait3A_83 : memref<1x1x1x8x128xf32, #tpu.memory_space<hbm>> -> memref<8x128xf32, #tpu.memory_space<hbm>>
    %dma_wait3A_85 = arith.constant 24 : i32
    %dma_wait3A_86 = arith.constant 0 : i32
    %dma_wait3A_87 = tpu.memref_slice %arg8[%dma_wait3A_85, %dma_wait3A_86] : memref<64x129xf32, #tpu.memory_space<vmem>> -> memref<8x128xf32, #tpu.memory_space<vmem>>
    tpu.wait_dma2 semaphore(%arg12 : memref<!tpu.dma_semaphore, #tpu.memory_space<semaphore_mem>>) src(%dma_wait3A_87 : memref<8x128xf32, #tpu.memory_space<vmem>>) dst(%dma_wait3A_84 : memref<8x128xf32, #tpu.memory_space<hbm>>)
    %dma_wait3A_88 = arith.constant 0 : i32
    %dma_wait3A_89 = arith.constant 4 : i32
    %dma_wait3A_90 = arith.constant 32 : i32
    %dma_wait3A_91 = arith.constant 0 : i32
    %dma_wait3A_92 = tpu.memref_slice %arg8[%dma_wait3A_90, %dma_wait3A_91] : memref<64x129xf32, #tpu.memory_space<vmem>> -> memref<8x128xf32, #tpu.memory_space<vmem>>
    %dma_wait3A_93 = arith.constant 0 : i32
    %dma_wait3A_94 = arith.constant 0 : i32
    %dma_wait3A_95 = tpu.memref_slice %arg4[%dma_wait3A_88, %dma_wait3A_89, %add3A, %dma_wait3A_93, %dma_wait3A_94] : memref<200x8x32x8x128xf32, #tpu.memory_space<hbm>> -> memref<1x1x1x8x128xf32, #tpu.memory_space<hbm>>
    %dma_wait3A_96 = tpu.memref_squeeze %dma_wait3A_95 : memref<1x1x1x8x128xf32, #tpu.memory_space<hbm>> -> memref<8x128xf32, #tpu.memory_space<hbm>>
    %dma_wait3A_97 = arith.constant 0 : i32
    %dma_wait3A_98 = arith.constant 0 : i32
    %dma_wait3A_99 = tpu.memref_slice %arg4[%dma_wait3A_88, %dma_wait3A_89, %add3A, %dma_wait3A_97, %dma_wait3A_98] : memref<200x8x32x8x128xf32, #tpu.memory_space<hbm>> -> memref<1x1x1x8x128xf32, #tpu.memory_space<hbm>>
    %dma_wait3A_100 = tpu.memref_squeeze %dma_wait3A_99 : memref<1x1x1x8x128xf32, #tpu.memory_space<hbm>> -> memref<8x128xf32, #tpu.memory_space<hbm>>
    %dma_wait3A_101 = arith.constant 32 : i32
    %dma_wait3A_102 = arith.constant 0 : i32
    %dma_wait3A_103 = tpu.memref_slice %arg8[%dma_wait3A_101, %dma_wait3A_102] : memref<64x129xf32, #tpu.memory_space<vmem>> -> memref<8x128xf32, #tpu.memory_space<vmem>>
    tpu.wait_dma2 semaphore(%arg12 : memref<!tpu.dma_semaphore, #tpu.memory_space<semaphore_mem>>) src(%dma_wait3A_103 : memref<8x128xf32, #tpu.memory_space<vmem>>) dst(%dma_wait3A_100 : memref<8x128xf32, #tpu.memory_space<hbm>>)
    %dma_wait3A_104 = arith.constant 0 : i32
    %dma_wait3A_105 = arith.constant 5 : i32
    %dma_wait3A_106 = arith.constant 40 : i32
    %dma_wait3A_107 = arith.constant 0 : i32
    %dma_wait3A_108 = tpu.memref_slice %arg8[%dma_wait3A_106, %dma_wait3A_107] : memref<64x129xf32, #tpu.memory_space<vmem>> -> memref<8x128xf32, #tpu.memory_space<vmem>>
    %dma_wait3A_109 = arith.constant 0 : i32
    %dma_wait3A_110 = arith.constant 0 : i32
    %dma_wait3A_111 = tpu.memref_slice %arg4[%dma_wait3A_104, %dma_wait3A_105, %add3A, %dma_wait3A_109, %dma_wait3A_110] : memref<200x8x32x8x128xf32, #tpu.memory_space<hbm>> -> memref<1x1x1x8x128xf32, #tpu.memory_space<hbm>>
    %dma_wait3A_112 = tpu.memref_squeeze %dma_wait3A_111 : memref<1x1x1x8x128xf32, #tpu.memory_space<hbm>> -> memref<8x128xf32, #tpu.memory_space<hbm>>
    %dma_wait3A_113 = arith.constant 0 : i32
    %dma_wait3A_114 = arith.constant 0 : i32
    %dma_wait3A_115 = tpu.memref_slice %arg4[%dma_wait3A_104, %dma_wait3A_105, %add3A, %dma_wait3A_113, %dma_wait3A_114] : memref<200x8x32x8x128xf32, #tpu.memory_space<hbm>> -> memref<1x1x1x8x128xf32, #tpu.memory_space<hbm>>
    %dma_wait3A_116 = tpu.memref_squeeze %dma_wait3A_115 : memref<1x1x1x8x128xf32, #tpu.memory_space<hbm>> -> memref<8x128xf32, #tpu.memory_space<hbm>>
    %dma_wait3A_117 = arith.constant 40 : i32
    %dma_wait3A_118 = arith.constant 0 : i32
    %dma_wait3A_119 = tpu.memref_slice %arg8[%dma_wait3A_117, %dma_wait3A_118] : memref<64x129xf32, #tpu.memory_space<vmem>> -> memref<8x128xf32, #tpu.memory_space<vmem>>
    tpu.wait_dma2 semaphore(%arg12 : memref<!tpu.dma_semaphore, #tpu.memory_space<semaphore_mem>>) src(%dma_wait3A_119 : memref<8x128xf32, #tpu.memory_space<vmem>>) dst(%dma_wait3A_116 : memref<8x128xf32, #tpu.memory_space<hbm>>)
    %dma_wait3A_120 = arith.constant 0 : i32
    %dma_wait3A_121 = arith.constant 6 : i32
    %dma_wait3A_122 = arith.constant 48 : i32
    %dma_wait3A_123 = arith.constant 0 : i32
    %dma_wait3A_124 = tpu.memref_slice %arg8[%dma_wait3A_122, %dma_wait3A_123] : memref<64x129xf32, #tpu.memory_space<vmem>> -> memref<8x128xf32, #tpu.memory_space<vmem>>
    %dma_wait3A_125 = arith.constant 0 : i32
    %dma_wait3A_126 = arith.constant 0 : i32
    %dma_wait3A_127 = tpu.memref_slice %arg4[%dma_wait3A_120, %dma_wait3A_121, %add3A, %dma_wait3A_125, %dma_wait3A_126] : memref<200x8x32x8x128xf32, #tpu.memory_space<hbm>> -> memref<1x1x1x8x128xf32, #tpu.memory_space<hbm>>
    %dma_wait3A_128 = tpu.memref_squeeze %dma_wait3A_127 : memref<1x1x1x8x128xf32, #tpu.memory_space<hbm>> -> memref<8x128xf32, #tpu.memory_space<hbm>>
    %dma_wait3A_129 = arith.constant 0 : i32
    %dma_wait3A_130 = arith.constant 0 : i32
    %dma_wait3A_131 = tpu.memref_slice %arg4[%dma_wait3A_120, %dma_wait3A_121, %add3A, %dma_wait3A_129, %dma_wait3A_130] : memref<200x8x32x8x128xf32, #tpu.memory_space<hbm>> -> memref<1x1x1x8x128xf32, #tpu.memory_space<hbm>>
    %dma_wait3A_132 = tpu.memref_squeeze %dma_wait3A_131 : memref<1x1x1x8x128xf32, #tpu.memory_space<hbm>> -> memref<8x128xf32, #tpu.memory_space<hbm>>
    %dma_wait3A_133 = arith.constant 48 : i32
    %dma_wait3A_134 = arith.constant 0 : i32
    %dma_wait3A_135 = tpu.memref_slice %arg8[%dma_wait3A_133, %dma_wait3A_134] : memref<64x129xf32, #tpu.memory_space<vmem>> -> memref<8x128xf32, #tpu.memory_space<vmem>>
    tpu.wait_dma2 semaphore(%arg12 : memref<!tpu.dma_semaphore, #tpu.memory_space<semaphore_mem>>) src(%dma_wait3A_135 : memref<8x128xf32, #tpu.memory_space<vmem>>) dst(%dma_wait3A_132 : memref<8x128xf32, #tpu.memory_space<hbm>>)
    %dma_wait3A_136 = arith.constant 0 : i32
    %dma_wait3A_137 = arith.constant 7 : i32
    %dma_wait3A_138 = arith.constant 56 : i32
    %dma_wait3A_139 = arith.constant 0 : i32
    %dma_wait3A_140 = tpu.memref_slice %arg8[%dma_wait3A_138, %dma_wait3A_139] : memref<64x129xf32, #tpu.memory_space<vmem>> -> memref<8x128xf32, #tpu.memory_space<vmem>>
    %dma_wait3A_141 = arith.constant 0 : i32
    %dma_wait3A_142 = arith.constant 0 : i32
    %dma_wait3A_143 = tpu.memref_slice %arg4[%dma_wait3A_136, %dma_wait3A_137, %add3A, %dma_wait3A_141, %dma_wait3A_142] : memref<200x8x32x8x128xf32, #tpu.memory_space<hbm>> -> memref<1x1x1x8x128xf32, #tpu.memory_space<hbm>>
    %dma_wait3A_144 = tpu.memref_squeeze %dma_wait3A_143 : memref<1x1x1x8x128xf32, #tpu.memory_space<hbm>> -> memref<8x128xf32, #tpu.memory_space<hbm>>
    %dma_wait3A_145 = arith.constant 0 : i32
    %dma_wait3A_146 = arith.constant 0 : i32
    %dma_wait3A_147 = tpu.memref_slice %arg4[%dma_wait3A_136, %dma_wait3A_137, %add3A, %dma_wait3A_145, %dma_wait3A_146] : memref<200x8x32x8x128xf32, #tpu.memory_space<hbm>> -> memref<1x1x1x8x128xf32, #tpu.memory_space<hbm>>
    %dma_wait3A_148 = tpu.memref_squeeze %dma_wait3A_147 : memref<1x1x1x8x128xf32, #tpu.memory_space<hbm>> -> memref<8x128xf32, #tpu.memory_space<hbm>>
    %dma_wait3A_149 = arith.constant 56 : i32
    %dma_wait3A_150 = arith.constant 0 : i32
    %dma_wait3A_151 = tpu.memref_slice %arg8[%dma_wait3A_149, %dma_wait3A_150] : memref<64x129xf32, #tpu.memory_space<vmem>> -> memref<8x128xf32, #tpu.memory_space<vmem>>
    tpu.wait_dma2 semaphore(%arg12 : memref<!tpu.dma_semaphore, #tpu.memory_space<semaphore_mem>>) src(%dma_wait3A_151 : memref<8x128xf32, #tpu.memory_space<vmem>>) dst(%dma_wait3A_148 : memref<8x128xf32, #tpu.memory_space<hbm>>)
    %dma_wait3A_152 = arith.constant 0 : i32
    %dma_wait3A_153 = arith.constant 0 : i32
    %dma_wait3A_154 = arith.constant 0 : i32
    %dma_wait3A_155 = arith.constant 0 : i32
    %dma_wait3A_156 = tpu.memref_slice %arg9[%dma_wait3A_154, %dma_wait3A_155] : memref<64x129xf32, #tpu.memory_space<vmem>> -> memref<8x128xf32, #tpu.memory_space<vmem>>
    %dma_wait3A_157 = arith.constant 0 : i32
    %dma_wait3A_158 = arith.constant 0 : i32
    %dma_wait3A_159 = tpu.memref_slice %arg4[%dma_wait3A_152, %dma_wait3A_153, %add3A, %dma_wait3A_157, %dma_wait3A_158] : memref<200x8x32x8x128xf32, #tpu.memory_space<hbm>> -> memref<1x1x1x8x128xf32, #tpu.memory_space<hbm>>
    %dma_wait3A_160 = tpu.memref_squeeze %dma_wait3A_159 : memref<1x1x1x8x128xf32, #tpu.memory_space<hbm>> -> memref<8x128xf32, #tpu.memory_space<hbm>>
    %dma_wait3A_161 = arith.constant 0 : i32
    %dma_wait3A_162 = arith.constant 0 : i32
    %dma_wait3A_163 = tpu.memref_slice %arg4[%dma_wait3A_152, %dma_wait3A_153, %add3A, %dma_wait3A_161, %dma_wait3A_162] : memref<200x8x32x8x128xf32, #tpu.memory_space<hbm>> -> memref<1x1x1x8x128xf32, #tpu.memory_space<hbm>>
    %dma_wait3A_164 = tpu.memref_squeeze %dma_wait3A_163 : memref<1x1x1x8x128xf32, #tpu.memory_space<hbm>> -> memref<8x128xf32, #tpu.memory_space<hbm>>
    %dma_wait3A_165 = arith.constant 0 : i32
    %dma_wait3A_166 = arith.constant 0 : i32
    %dma_wait3A_167 = tpu.memref_slice %arg9[%dma_wait3A_165, %dma_wait3A_166] : memref<64x129xf32, #tpu.memory_space<vmem>> -> memref<8x128xf32, #tpu.memory_space<vmem>>
    tpu.wait_dma2 semaphore(%arg13 : memref<!tpu.dma_semaphore, #tpu.memory_space<semaphore_mem>>) src(%dma_wait3A_167 : memref<8x128xf32, #tpu.memory_space<vmem>>) dst(%dma_wait3A_164 : memref<8x128xf32, #tpu.memory_space<hbm>>)
    %dma_wait3A_168 = arith.constant 0 : i32
    %dma_wait3A_169 = arith.constant 1 : i32
    %dma_wait3A_170 = arith.constant 8 : i32
    %dma_wait3A_171 = arith.constant 0 : i32
    %dma_wait3A_172 = tpu.memref_slice %arg9[%dma_wait3A_170, %dma_wait3A_171] : memref<64x129xf32, #tpu.memory_space<vmem>> -> memref<8x128xf32, #tpu.memory_space<vmem>>
    %dma_wait3A_173 = arith.constant 0 : i32
    %dma_wait3A_174 = arith.constant 0 : i32
    %dma_wait3A_175 = tpu.memref_slice %arg4[%dma_wait3A_168, %dma_wait3A_169, %add3A, %dma_wait3A_173, %dma_wait3A_174] : memref<200x8x32x8x128xf32, #tpu.memory_space<hbm>> -> memref<1x1x1x8x128xf32, #tpu.memory_space<hbm>>
    %dma_wait3A_176 = tpu.memref_squeeze %dma_wait3A_175 : memref<1x1x1x8x128xf32, #tpu.memory_space<hbm>> -> memref<8x128xf32, #tpu.memory_space<hbm>>
    %dma_wait3A_177 = arith.constant 0 : i32
    %dma_wait3A_178 = arith.constant 0 : i32
    %dma_wait3A_179 = tpu.memref_slice %arg4[%dma_wait3A_168, %dma_wait3A_169, %add3A, %dma_wait3A_177, %dma_wait3A_178] : memref<200x8x32x8x128xf32, #tpu.memory_space<hbm>> -> memref<1x1x1x8x128xf32, #tpu.memory_space<hbm>>
    %dma_wait3A_180 = tpu.memref_squeeze %dma_wait3A_179 : memref<1x1x1x8x128xf32, #tpu.memory_space<hbm>> -> memref<8x128xf32, #tpu.memory_space<hbm>>
    %dma_wait3A_181 = arith.constant 8 : i32
    %dma_wait3A_182 = arith.constant 0 : i32
    %dma_wait3A_183 = tpu.memref_slice %arg9[%dma_wait3A_181, %dma_wait3A_182] : memref<64x129xf32, #tpu.memory_space<vmem>> -> memref<8x128xf32, #tpu.memory_space<vmem>>
    tpu.wait_dma2 semaphore(%arg13 : memref<!tpu.dma_semaphore, #tpu.memory_space<semaphore_mem>>) src(%dma_wait3A_183 : memref<8x128xf32, #tpu.memory_space<vmem>>) dst(%dma_wait3A_180 : memref<8x128xf32, #tpu.memory_space<hbm>>)
    %dma_wait3A_184 = arith.constant 0 : i32
    %dma_wait3A_185 = arith.constant 2 : i32
    %dma_wait3A_186 = arith.constant 16 : i32
    %dma_wait3A_187 = arith.constant 0 : i32
    %dma_wait3A_188 = tpu.memref_slice %arg9[%dma_wait3A_186, %dma_wait3A_187] : memref<64x129xf32, #tpu.memory_space<vmem>> -> memref<8x128xf32, #tpu.memory_space<vmem>>
    %dma_wait3A_189 = arith.constant 0 : i32
    %dma_wait3A_190 = arith.constant 0 : i32
    %dma_wait3A_191 = tpu.memref_slice %arg4[%dma_wait3A_184, %dma_wait3A_185, %add3A, %dma_wait3A_189, %dma_wait3A_190] : memref<200x8x32x8x128xf32, #tpu.memory_space<hbm>> -> memref<1x1x1x8x128xf32, #tpu.memory_space<hbm>>
    %dma_wait3A_192 = tpu.memref_squeeze %dma_wait3A_191 : memref<1x1x1x8x128xf32, #tpu.memory_space<hbm>> -> memref<8x128xf32, #tpu.memory_space<hbm>>
    %dma_wait3A_193 = arith.constant 0 : i32
    %dma_wait3A_194 = arith.constant 0 : i32
    %dma_wait3A_195 = tpu.memref_slice %arg4[%dma_wait3A_184, %dma_wait3A_185, %add3A, %dma_wait3A_193, %dma_wait3A_194] : memref<200x8x32x8x128xf32, #tpu.memory_space<hbm>> -> memref<1x1x1x8x128xf32, #tpu.memory_space<hbm>>
    %dma_wait3A_196 = tpu.memref_squeeze %dma_wait3A_195 : memref<1x1x1x8x128xf32, #tpu.memory_space<hbm>> -> memref<8x128xf32, #tpu.memory_space<hbm>>
    %dma_wait3A_197 = arith.constant 16 : i32
    %dma_wait3A_198 = arith.constant 0 : i32
    %dma_wait3A_199 = tpu.memref_slice %arg9[%dma_wait3A_197, %dma_wait3A_198] : memref<64x129xf32, #tpu.memory_space<vmem>> -> memref<8x128xf32, #tpu.memory_space<vmem>>
    tpu.wait_dma2 semaphore(%arg13 : memref<!tpu.dma_semaphore, #tpu.memory_space<semaphore_mem>>) src(%dma_wait3A_199 : memref<8x128xf32, #tpu.memory_space<vmem>>) dst(%dma_wait3A_196 : memref<8x128xf32, #tpu.memory_space<hbm>>)
    %dma_wait3A_200 = arith.constant 0 : i32
    %dma_wait3A_201 = arith.constant 3 : i32
    %dma_wait3A_202 = arith.constant 24 : i32
    %dma_wait3A_203 = arith.constant 0 : i32
    %dma_wait3A_204 = tpu.memref_slice %arg9[%dma_wait3A_202, %dma_wait3A_203] : memref<64x129xf32, #tpu.memory_space<vmem>> -> memref<8x128xf32, #tpu.memory_space<vmem>>
    %dma_wait3A_205 = arith.constant 0 : i32
    %dma_wait3A_206 = arith.constant 0 : i32
    %dma_wait3A_207 = tpu.memref_slice %arg4[%dma_wait3A_200, %dma_wait3A_201, %add3A, %dma_wait3A_205, %dma_wait3A_206] : memref<200x8x32x8x128xf32, #tpu.memory_space<hbm>> -> memref<1x1x1x8x128xf32, #tpu.memory_space<hbm>>
    %dma_wait3A_208 = tpu.memref_squeeze %dma_wait3A_207 : memref<1x1x1x8x128xf32, #tpu.memory_space<hbm>> -> memref<8x128xf32, #tpu.memory_space<hbm>>
    %dma_wait3A_209 = arith.constant 0 : i32
    %dma_wait3A_210 = arith.constant 0 : i32
    %dma_wait3A_211 = tpu.memref_slice %arg4[%dma_wait3A_200, %dma_wait3A_201, %add3A, %dma_wait3A_209, %dma_wait3A_210] : memref<200x8x32x8x128xf32, #tpu.memory_space<hbm>> -> memref<1x1x1x8x128xf32, #tpu.memory_space<hbm>>
    %dma_wait3A_212 = tpu.memref_squeeze %dma_wait3A_211 : memref<1x1x1x8x128xf32, #tpu.memory_space<hbm>> -> memref<8x128xf32, #tpu.memory_space<hbm>>
    %dma_wait3A_213 = arith.constant 24 : i32
    %dma_wait3A_214 = arith.constant 0 : i32
    %dma_wait3A_215 = tpu.memref_slice %arg9[%dma_wait3A_213, %dma_wait3A_214] : memref<64x129xf32, #tpu.memory_space<vmem>> -> memref<8x128xf32, #tpu.memory_space<vmem>>
    tpu.wait_dma2 semaphore(%arg13 : memref<!tpu.dma_semaphore, #tpu.memory_space<semaphore_mem>>) src(%dma_wait3A_215 : memref<8x128xf32, #tpu.memory_space<vmem>>) dst(%dma_wait3A_212 : memref<8x128xf32, #tpu.memory_space<hbm>>)
    %dma_wait3A_216 = arith.constant 0 : i32
    %dma_wait3A_217 = arith.constant 4 : i32
    %dma_wait3A_218 = arith.constant 32 : i32
    %dma_wait3A_219 = arith.constant 0 : i32
    %dma_wait3A_220 = tpu.memref_slice %arg9[%dma_wait3A_218, %dma_wait3A_219] : memref<64x129xf32, #tpu.memory_space<vmem>> -> memref<8x128xf32, #tpu.memory_space<vmem>>
    %dma_wait3A_221 = arith.constant 0 : i32
    %dma_wait3A_222 = arith.constant 0 : i32
    %dma_wait3A_223 = tpu.memref_slice %arg4[%dma_wait3A_216, %dma_wait3A_217, %add3A, %dma_wait3A_221, %dma_wait3A_222] : memref<200x8x32x8x128xf32, #tpu.memory_space<hbm>> -> memref<1x1x1x8x128xf32, #tpu.memory_space<hbm>>
    %dma_wait3A_224 = tpu.memref_squeeze %dma_wait3A_223 : memref<1x1x1x8x128xf32, #tpu.memory_space<hbm>> -> memref<8x128xf32, #tpu.memory_space<hbm>>
    %dma_wait3A_225 = arith.constant 0 : i32
    %dma_wait3A_226 = arith.constant 0 : i32
    %dma_wait3A_227 = tpu.memref_slice %arg4[%dma_wait3A_216, %dma_wait3A_217, %add3A, %dma_wait3A_225, %dma_wait3A_226] : memref<200x8x32x8x128xf32, #tpu.memory_space<hbm>> -> memref<1x1x1x8x128xf32, #tpu.memory_space<hbm>>
    %dma_wait3A_228 = tpu.memref_squeeze %dma_wait3A_227 : memref<1x1x1x8x128xf32, #tpu.memory_space<hbm>> -> memref<8x128xf32, #tpu.memory_space<hbm>>
    %dma_wait3A_229 = arith.constant 32 : i32
    %dma_wait3A_230 = arith.constant 0 : i32
    %dma_wait3A_231 = tpu.memref_slice %arg9[%dma_wait3A_229, %dma_wait3A_230] : memref<64x129xf32, #tpu.memory_space<vmem>> -> memref<8x128xf32, #tpu.memory_space<vmem>>
    tpu.wait_dma2 semaphore(%arg13 : memref<!tpu.dma_semaphore, #tpu.memory_space<semaphore_mem>>) src(%dma_wait3A_231 : memref<8x128xf32, #tpu.memory_space<vmem>>) dst(%dma_wait3A_228 : memref<8x128xf32, #tpu.memory_space<hbm>>)
    %dma_wait3A_232 = arith.constant 0 : i32
    %dma_wait3A_233 = arith.constant 5 : i32
    %dma_wait3A_234 = arith.constant 40 : i32
    %dma_wait3A_235 = arith.constant 0 : i32
    %dma_wait3A_236 = tpu.memref_slice %arg9[%dma_wait3A_234, %dma_wait3A_235] : memref<64x129xf32, #tpu.memory_space<vmem>> -> memref<8x128xf32, #tpu.memory_space<vmem>>
    %dma_wait3A_237 = arith.constant 0 : i32
    %dma_wait3A_238 = arith.constant 0 : i32
    %dma_wait3A_239 = tpu.memref_slice %arg4[%dma_wait3A_232, %dma_wait3A_233, %add3A, %dma_wait3A_237, %dma_wait3A_238] : memref<200x8x32x8x128xf32, #tpu.memory_space<hbm>> -> memref<1x1x1x8x128xf32, #tpu.memory_space<hbm>>
    %dma_wait3A_240 = tpu.memref_squeeze %dma_wait3A_239 : memref<1x1x1x8x128xf32, #tpu.memory_space<hbm>> -> memref<8x128xf32, #tpu.memory_space<hbm>>
    %dma_wait3A_241 = arith.constant 0 : i32
    %dma_wait3A_242 = arith.constant 0 : i32
    %dma_wait3A_243 = tpu.memref_slice %arg4[%dma_wait3A_232, %dma_wait3A_233, %add3A, %dma_wait3A_241, %dma_wait3A_242] : memref<200x8x32x8x128xf32, #tpu.memory_space<hbm>> -> memref<1x1x1x8x128xf32, #tpu.memory_space<hbm>>
    %dma_wait3A_244 = tpu.memref_squeeze %dma_wait3A_243 : memref<1x1x1x8x128xf32, #tpu.memory_space<hbm>> -> memref<8x128xf32, #tpu.memory_space<hbm>>
    %dma_wait3A_245 = arith.constant 40 : i32
    %dma_wait3A_246 = arith.constant 0 : i32
    %dma_wait3A_247 = tpu.memref_slice %arg9[%dma_wait3A_245, %dma_wait3A_246] : memref<64x129xf32, #tpu.memory_space<vmem>> -> memref<8x128xf32, #tpu.memory_space<vmem>>
    tpu.wait_dma2 semaphore(%arg13 : memref<!tpu.dma_semaphore, #tpu.memory_space<semaphore_mem>>) src(%dma_wait3A_247 : memref<8x128xf32, #tpu.memory_space<vmem>>) dst(%dma_wait3A_244 : memref<8x128xf32, #tpu.memory_space<hbm>>)
    %dma_wait3A_248 = arith.constant 0 : i32
    %dma_wait3A_249 = arith.constant 6 : i32
    %dma_wait3A_250 = arith.constant 48 : i32
    %dma_wait3A_251 = arith.constant 0 : i32
    %dma_wait3A_252 = tpu.memref_slice %arg9[%dma_wait3A_250, %dma_wait3A_251] : memref<64x129xf32, #tpu.memory_space<vmem>> -> memref<8x128xf32, #tpu.memory_space<vmem>>
    %dma_wait3A_253 = arith.constant 0 : i32
    %dma_wait3A_254 = arith.constant 0 : i32
    %dma_wait3A_255 = tpu.memref_slice %arg4[%dma_wait3A_248, %dma_wait3A_249, %add3A, %dma_wait3A_253, %dma_wait3A_254] : memref<200x8x32x8x128xf32, #tpu.memory_space<hbm>> -> memref<1x1x1x8x128xf32, #tpu.memory_space<hbm>>
    %dma_wait3A_256 = tpu.memref_squeeze %dma_wait3A_255 : memref<1x1x1x8x128xf32, #tpu.memory_space<hbm>> -> memref<8x128xf32, #tpu.memory_space<hbm>>
    %dma_wait3A_257 = arith.constant 0 : i32
    %dma_wait3A_258 = arith.constant 0 : i32
    %dma_wait3A_259 = tpu.memref_slice %arg4[%dma_wait3A_248, %dma_wait3A_249, %add3A, %dma_wait3A_257, %dma_wait3A_258] : memref<200x8x32x8x128xf32, #tpu.memory_space<hbm>> -> memref<1x1x1x8x128xf32, #tpu.memory_space<hbm>>
    %dma_wait3A_260 = tpu.memref_squeeze %dma_wait3A_259 : memref<1x1x1x8x128xf32, #tpu.memory_space<hbm>> -> memref<8x128xf32, #tpu.memory_space<hbm>>
    %dma_wait3A_261 = arith.constant 48 : i32
    %dma_wait3A_262 = arith.constant 0 : i32
    %dma_wait3A_263 = tpu.memref_slice %arg9[%dma_wait3A_261, %dma_wait3A_262] : memref<64x129xf32, #tpu.memory_space<vmem>> -> memref<8x128xf32, #tpu.memory_space<vmem>>
    tpu.wait_dma2 semaphore(%arg13 : memref<!tpu.dma_semaphore, #tpu.memory_space<semaphore_mem>>) src(%dma_wait3A_263 : memref<8x128xf32, #tpu.memory_space<vmem>>) dst(%dma_wait3A_260 : memref<8x128xf32, #tpu.memory_space<hbm>>)
    %dma_wait3A_264 = arith.constant 0 : i32
    %dma_wait3A_265 = arith.constant 7 : i32
    %dma_wait3A_266 = arith.constant 56 : i32
    %dma_wait3A_267 = arith.constant 0 : i32
    %dma_wait3A_268 = tpu.memref_slice %arg9[%dma_wait3A_266, %dma_wait3A_267] : memref<64x129xf32, #tpu.memory_space<vmem>> -> memref<8x128xf32, #tpu.memory_space<vmem>>
    %dma_wait3A_269 = arith.constant 0 : i32
    %dma_wait3A_270 = arith.constant 0 : i32
    %dma_wait3A_271 = tpu.memref_slice %arg4[%dma_wait3A_264, %dma_wait3A_265, %add3A, %dma_wait3A_269, %dma_wait3A_270] : memref<200x8x32x8x128xf32, #tpu.memory_space<hbm>> -> memref<1x1x1x8x128xf32, #tpu.memory_space<hbm>>
    %dma_wait3A_272 = tpu.memref_squeeze %dma_wait3A_271 : memref<1x1x1x8x128xf32, #tpu.memory_space<hbm>> -> memref<8x128xf32, #tpu.memory_space<hbm>>
    %dma_wait3A_273 = arith.constant 0 : i32
    %dma_wait3A_274 = arith.constant 0 : i32
    %dma_wait3A_275 = tpu.memref_slice %arg4[%dma_wait3A_264, %dma_wait3A_265, %add3A, %dma_wait3A_273, %dma_wait3A_274] : memref<200x8x32x8x128xf32, #tpu.memory_space<hbm>> -> memref<1x1x1x8x128xf32, #tpu.memory_space<hbm>>
    %dma_wait3A_276 = tpu.memref_squeeze %dma_wait3A_275 : memref<1x1x1x8x128xf32, #tpu.memory_space<hbm>> -> memref<8x128xf32, #tpu.memory_space<hbm>>
    %dma_wait3A_277 = arith.constant 56 : i32
    %dma_wait3A_278 = arith.constant 0 : i32
    %dma_wait3A_279 = tpu.memref_slice %arg9[%dma_wait3A_277, %dma_wait3A_278] : memref<64x129xf32, #tpu.memory_space<vmem>> -> memref<8x128xf32, #tpu.memory_space<vmem>>
    tpu.wait_dma2 semaphore(%arg13 : memref<!tpu.dma_semaphore, #tpu.memory_space<semaphore_mem>>) src(%dma_wait3A_279 : memref<8x128xf32, #tpu.memory_space<vmem>>) dst(%dma_wait3A_276 : memref<8x128xf32, #tpu.memory_space<hbm>>)
    return
  }
}

</mosaic_0001>

<sc_bundles>
// kernel: _emb_lookup.3.cloned.1.call-start
scs
__scs_entry_jumppad:
0x0: {  	(pc) =	sbr.rel $0x88, $3  }
0x1: {  	(tag) =	ssettag $0x0;
	lr =	simm.s32 $0x1  }
0x2: {  	[smem:$0x3F9F] =	sst lr;
	_ =	strace $0xD0000000  }
0x3: {  	_ = 	snop  }
0x4: {  	_ = 	snop  }
0x5: {  	_ = 	snop  }
0x6: {  	_ = 	snop  }
0x7: {  	_ = 	snop  }
__scs_overlays_trampoline_lowered:
0x8: {  	[smem:$0x3FAE] =	sst s0  }
0x9: {  	[smem:$0x3FAF] =	sst s1  }
0xa: {  	[smem:$0x3FB0] =	sst s2  }
0xb: {  	[smem:$0x3FB1] =	sst s3  }
0xc: {  	[smem:$0x3FB2] =	sst s4  }
0xd: {  	[smem:$0x3FB3] =	sst s5  }
0xe: {  	[smem:$0x3FB4] =	sst s6  }
0xf: {  	[smem:$0x3FB5] =	sst s7  }
0x10: {  	[smem:$0x3FB6] =	sst s8  }
0x11: {  	[smem:$0x3FB7] =	sst s9;
	s0 =	simm.s32 @!p0 $0x0  }
0x12: {  	s1 =	sld [smem:$0x3F9D];
	s0 =	simm.s32 @p0 $0x1  }
0x13: {  	[smem:$0x3FB8] =	sst s0;
	s0 =	simm.s32 @!p1 $0x0  }
0x14: {  	s2 =	sld [smem:$0x3F9C];
	s0 =	simm.s32 @p1 $0x1  }
0x15: {  	[smem:$0x3FB9] =	sst s0;
	s0 =	simm.s32 @!p2 $0x0  }
0x16: {  	s3 =	sld [smem:$0x3FDB];
	s0 =	simm.s32 @p2 $0x1  }
0x17: {  	s4 =	simm.s32 $0x1BF5;
	[smem:$0x3FBB] =	sst s0  }
0x18: {  	s0 =	sld [smem:$0x3F9E];
	_ =	swait.ge [sflag:s4], $0x0  }
0x19: {  	s7 =	sld [smem:$0x3F9F]  }
0x1a: {  	s8 =	sadd.s32 $0xFFFFE003, lr  }
0x1b: {  	s9 =	sadd.s32 $0xFFFFFEF7, lr;
	s5 =	simm.s32 $0xFFFFFFFF;
	p2 =	slt.u32 s8, $0xFFFFF086  }
0x1c: {  	p1 =	slt.u32 s9, $0xF7A;
	s5 =	simm.s32 @!p2 $0x0  }
0x1d: {  	s5 =	simm.s32 @p1 $0x1;
	p0 =	seq.s32 s7, s2  }
0x1e: {  	s7 =	smul.u32 @!p0 $0xF7A, s2;
	p2 =	seq.s32 @!p0 s5, $0x0  }
0x1f: {  	s9 =	smul.u32 $0xF7A, s1;
	s8 =	simm.s32 @!p0 $0x1BF5;
	p2 =	por !p2, p0  }
0x20: {  	[sflag:s8] =	ssyncset.s32 @!p0 $0xFFFFF086;
	s6 =	sadd.s32 @!p0 s3, s7;
	s7 =	simm.s32 @!p0 $0x108  }
0x21: {  	s3 =	sadd.s32 s3, s9;
	s6 =	sadd.s32 @!p0 $0x88, s6;
	s7 =	simm.s32 @p2 $0x1082  }
0x22: {  	[simem:s7], [sflag:s8] =	dma.local @!p0 [hbm:s6], $0xF7A  }
0x23: {  	s9 =	sor.u32 $0xD0000000, s2;
	s6 =	simm.s32 $0x108;
	_ =	swait.ge @!p0 [sflag:s8], $0x0  }
0x24: {  	s3 =	sadd.s32 $0x88, s3;
	s6 =	simm.s32 @!p1 $0x1082;
	[sflag:s4] =	ssyncset.s32 $0xFFFFF086  }
0x25: {  	[simem:s6], [sflag:s4] =	dma.local [hbm:s3], $0xF7A  }
0x26: {  	[smem:$0x3F9F] =	sst s1;
	(tag) =	ssettag s2;
	_ =	strace s9  }
0x27: {  	s1 =	sld [smem:$0x3FAF]  }
0x28: {  	s2 =	sld [smem:$0x3FB0]  }
0x29: {  	s4 =	sld [smem:$0x3FB2]  }
0x2a: {  	p0 =	seq.s32 s5, $0x0;
	s5 =	sld [smem:$0x3FB3]  }
0x2b: {  	s6 =	sld [smem:$0x3FB4]  }
0x2c: {  	s7 =	sld [smem:$0x3FB5]  }
0x2d: {  	s3 =	simm.s32 $0x108;
	s8 =	sld [smem:$0x3FB6]  }
0x2e: {  	s3 =	simm.s32 @!p0 $0x1082;
	s9 =	sld [smem:$0x3FB7]  }
0x2f: {  	lr =	sadd.s32 s0, s3;
	s0 =	sld [smem:$0x3FAE]  }
0x30: {  	s3 =	sld [smem:$0x3FB1]  }
0x31: {  	[smem:$0x3FBA] =	sst s10  }
0x32: {  	s10 =	sld [smem:$0x3FB8];
	_ =	sdelay $0x3  }
0x33: {  	p0 =	seq.s32 s10, $0x1;
	s10 =	sld [smem:$0x3FBA];
	_ =	sdelay $0x3  }
0x34: {  	[smem:$0x3FBA] =	sst s10  }
0x35: {  	s10 =	sld [smem:$0x3FB9];
	_ =	sdelay $0x3  }
0x36: {  	p1 =	seq.s32 s10, $0x1;
	s10 =	sld [smem:$0x3FBA];
	_ =	sdelay $0x3  }
0x37: {  	[smem:$0x3FBA] =	sst s10  }
0x38: {  	s10 =	sld [smem:$0x3FBB]  }
0x39: {  	_ = 	snop;
	(pc) =	sbr.ind lr, $3  }
0x3a: {  	_ = 	snop  }
0x3b: {  	_ = 	snop  }
0x3c: {  	p2 =	seq.s32 s10, $0x1;
	s10 =	sld [smem:$0x3FBA]  }
0x3d: {  	_ =	shalt  }
0x3e: {  	_ =	shalt  }
0x3f: {  	_ =	shalt  }
0x40: {  	_ =	shalt  }
0x41: {  	_ =	shalt  }
0x42: {  	_ =	shalt  }
0x43: {  	_ =	shalt  }
0x44: {  	_ =	shalt  }
0x45: {  	_ =	shalt  }
0x46: {  	_ =	shalt  }
0x47: {  	_ =	shalt  }
0x48: {  	_ =	shalt  }
0x49: {  	_ =	shalt  }
0x4a: {  	_ =	shalt  }
0x4b: {  	_ =	shalt  }
0x4c: {  	_ =	shalt  }
0x4d: {  	_ =	shalt  }
0x4e: {  	_ =	shalt  }
0x4f: {  	_ =	shalt  }
0x50: {  	_ =	shalt  }
0x51: {  	_ =	shalt  }
0x52: {  	_ =	shalt  }
0x53: {  	_ =	shalt  }
0x54: {  	_ =	shalt  }
0x55: {  	_ =	shalt  }
0x56: {  	_ =	shalt  }
0x57: {  	_ =	shalt  }
0x58: {  	_ =	shalt  }
0x59: {  	_ =	shalt  }
0x5a: {  	_ =	shalt  }
0x5b: {  	_ =	shalt  }
0x5c: {  	_ =	shalt  }
0x5d: {  	_ =	shalt  }
0x5e: {  	_ =	shalt  }
0x5f: {  	_ =	shalt  }
0x60: {  	_ =	shalt  }
0x61: {  	_ =	shalt  }
0x62: {  	_ =	shalt  }
0x63: {  	_ =	shalt  }
0x64: {  	_ =	shalt  }
0x65: {  	_ =	shalt  }
0x66: {  	_ =	shalt  }
0x67: {  	_ =	shalt  }
0x68: {  	_ =	shalt  }
0x69: {  	_ =	shalt  }
0x6a: {  	_ =	shalt  }
0x6b: {  	_ =	shalt  }
0x6c: {  	_ =	shalt  }
0x6d: {  	_ =	shalt  }
0x6e: {  	_ =	shalt  }
0x6f: {  	_ =	shalt  }
0x70: {  	_ =	shalt  }
0x71: {  	_ =	shalt  }
0x72: {  	_ =	shalt  }
0x73: {  	_ =	shalt  }
0x74: {  	_ =	shalt  }
0x75: {  	_ =	shalt  }
0x76: {  	_ =	shalt  }
0x77: {  	_ =	shalt  }
0x78: {  	_ =	shalt  }
0x79: {  	_ =	shalt  }
0x7a: {  	_ =	shalt  }
0x7b: {  	_ =	shalt  }
0x7c: {  	_ =	shalt  }
0x7d: {  	_ =	shalt  }
0x7e: {  	_ =	shalt  }
0x7f: {  	_ =	shalt  }
0x80: {  	_ =	shalt  }
0x81: {  	_ =	shalt  }
0x82: {  	_ =	shalt  }
0x83: {  	_ =	shalt  }
0x84: {  	_ =	shalt  }
0x85: {  	_ =	shalt  }
0x86: {  	_ =	shalt  }
0x87: {  	_ =	shalt  }
.Lfunc_end0:
.L_simem_size_0:
called_computation_lowered:
.L_overlay_start_0:
0x88: {  	s2 =	sld [smem:$0x3FD9]  }
0x89: {  	s3 =	sld [smem:$0x3FFE];
	_ =	sdelay $0x1  }
0x8a: {  	s1 =	srdreg.scid  }
0x8b: {  	s0 =	sand.u32 $0x1, s1  }
0x8c: {  	s17 =	sshll.u32 s0, $0xA;
	s2 =	sadd.s32 s3, s2  }
0x8d: {  	s2 =	sadd.s32 s2, s17  }
0x8e: {  	[smem:$0x3FC6] =	sst s2  }
0x8f: {  	_ = 	snop  }
0x90: {  	s2 =	sld [smem:$0x3FC8]  }
0x91: {  	s18 =	sld [smem:$0x3FD0];
	(tm) =	ssettm $0x1  }
0x92: {  	s4 =	sld [smem:$0x3FFB];
	_ =	sdelay $0x3  }
0x93: {  	_ =	strace s4  }
0x94: {  	s4 =	sld [smem:$0x3FFC];
	_ =	sdelay $0x3  }
0x95: {  	_ =	strace s4  }
0x96: {  	s4 =	sld [smem:$0x3FFD];
	_ =	sdelay $0x3  }
0x97: {  	_ =	strace s4  }
0x98: {  	_ =	strace $0x8FFFFFFF  }
0x99: {  	s19 =	sld [smem:$0x3FDB];
	_ =	sdelay $0x1  }
0x9a: {  	s5 =	simm.s32 $_scs_section_size  }
0x9b: {  	s6 =	simm.s32 $_size__tile_overlayer_lowered;
	s7 =	simm.s32 $_tile_overlayer_lowered  }
0x9c: {  	s22 =	simm.s32 $0x1BFF;
	s21 =	sshll.u32 s7, $0x1;
	s4 =	sadd.s32 s5, s19  }
0x9d: {  	s8 =	simm.s32 $0x0;
	s20 =	sshll.u32 s6, $0x1;
	s6 =	sadd.s32 s21, s4  }
0x9e: {  	[timem:s8], [sflag:s22] =	dma.local [hbm:s6], s20  }
0x9f: {  	_ =	swait.ge [sflag:s22], s20  }
0xa0: {  	s5 =	ssub.s32 $0x0, s20;
	[sflag:s22] =	ssyncset.done $0x0  }
0xa1: {  	[sflag:s22] =	ssyncadd.s32 s5;
	_ =	sdelay $0x1  }
0xa2: {  	s23 =	simm.s32 $0x1B8B  }
0xa3: {  	_ =	swait.ge [sflag:s23], $0x1  }
0xa4: {  	[sflag:s23] =	ssyncset.done $0x0  }
0xa5: {  	s25 =	simm.s32 $0x1B8E;
	s24 =	sld [smem:$0x3FFE];
	[sflag:s23] =	ssyncadd.s32 $0xFFFFFFFF  }
0xa6: {  	s26 =	simm.s32 $execute0_lowered;
	[smem:$0x3FD2] =	sst s25  }
0xa7: {  	s6 =	sshll.u32 s26, $0x1;
	_ =	strace $0x80000046;
	[dreg:$0x1] =	wrdreg $0xFFFFFFFF  }
0xa8: {  	s28 =	simm.s32 $_size_execute0_lowered;
	s4 =	sadd.s32 s4, s6;
	[dreg:$0x0] =	wrdreg $0x0  }
0xa9: {  	s6 =	sshll.u32 s28, $0x1;
	[dreg:$0x2] =	wrdreg s4  }
0xaa: {  	[dreg:$0x3] =	wrdreg s6  }
0xab: {  	[dreg:$0x4] =	wrdreg $0xC0  }
0xac: {  	_ =	task [dreg:s8], $0x5FFFF  }
0xad: {  	[dreg:$0x1] =	wrdreg $0xFFFFFFFF  }
0xae: {  	[dreg:$0x0] =	wrdreg $0x60  }
0xaf: {  	[dreg:$0x2] =	wrdreg s24  }
0xb0: {  	[dreg:$0x3] =	wrdreg s2  }
0xb1: {  	[dreg:$0x4] =	wrdreg s18  }
0xb2: {  	[dreg:$0x5] =	wrdreg $0x9  }
0xb3: {  	_ =	task.clear_ibuf [dreg:s8], $0x6FFFF;
	_ =	strace $0x90000046  }
0xb4: {  	s29 =	simm.s32 $0x9;
	_ =	strace $0x80000048  }
0xb5: {  	_ =	swait.ge [sflag:s29], $0x1  }
0xb6: {  	[sflag:s29] =	ssyncadd.s32 $0xFFFFFFFF  }
0xb7: {  	_ =	strace $0x90000048  }
0xb8: {  	_ =	sfence  }
0xb9: {  	s30 =	sld [smem:$0x0];
	_ =	sdelay $0x2  }
0xba: {  	s31 =	sshll.u32 s1, $0xD;
	s1 =	sshrl.u32 s1, $0x2  }
0xbb: {  	s3 =	sand.u32 $0x4000, s31;
	s1 =	sadd.s32 s1, s30  }
0xbc: {  	s0 =	sor.u32 s3, s0;
	s1 =	sshll.u32 s1, $0x11  }
0xbd: {  	s0 =	sor.u32 s1, s0  }
0xbe: {  	s0 =	sadd.s32 $0x8F2B, s0  }
0xbf: {  	[sflag:s0] =	ssyncadd.remote.s32 $0x1  }
0xc0: {  	_ =	sfence.sel $0xFFFF  }
0xc1: {  	[dreg:$0x0] =	wrdreg $0xFFFFFFFF;
	(pc) =	sbr.abs _section_cstart, $3  }
0xc2: {  	[dreg:$0x1] =	wrdreg $0xFFFFFFFF  }
0xc3: {  	_ =	task.clear_ibuf [dreg:s8], $0x2FFFF;
	_ =	strace $0x9FFFFFFF  }
0xc4: {  	(tm) =	ssettm $0x7FFFFFFF  }
0xc5: {  	_ =	shalt  }
tec
execute0_lowered:
.L_overlay_start_1:
0x0: {  	(tag) =	ssettag $0x1  }
0x1: {  	s0 =	rddreg [dreg:$0x0]  }
0x2: {  	s1 =	rddreg [dreg:$0x1]  }
0x3: {  	s2 =	rddreg [dreg:$0x2];
	s3 =	srdreg.scid  }
0x4: {  	s5 =	stileid.u32;
	s19 =	simm.s32 $0x1;
	s20 =	simm.s32 $0xA400  }
0x5: {  	s17 =	simm.s32 $0xC600;
	s22 =	simm.s32 $0xE338;
	s23 =	simm.s32 $0xE3C0  }
0x6: {  	s24 =	simm.s32 $0xE448;
	s25 =	simm.s32 $0xE4D0;
	s28 =	simm.s32 $0xE5E0  }
0x7: {  	s29 =	simm.s32 $0xE668;
	s30 =	simm.s32 $0xE6F0;
	s31 =	simm.s32 $0xE778  }
0x8: {  	s14 =	simm.s32 $0x0;
	s4 =	sand.u32 $0x1, s3;
	s5 =	sshll.u32 s5, $0x1  }
0x9: {  	s3 =	simm.s32 $0x0;
	s9 =	sadd.s32 $0x3000, s2;
	s10 =	sadd.s32 $0x4000, s2  }
0xa: {  	s11 =	sadd.s32 $0x5000, s2;
	s12 =	sadd.s32 $0x6000, s2;
	s13 =	sadd.s32 $0x7000, s2  }
0xb: {  	s6 =	ssub.s32 $0x2, s4;
	s5 =	sor.u32 s4, s5;
	[smem:$0x7FF] =	sst s3  }
0xc: {  	s4 =	sadd.s32 $0xF80400, s0;
	s7 =	sshrl.u32 s6, $0x1;
	s8 =	smul.u32 $0xC80, s5  }
0xd: {  	v0 =	vlaneseq.u32;
	_ =	strace $0x80000047;
	s26 =	ssub.s32 s6, s7;
	s6 =	sshll.u32 s5, $0xA  }
0xe: {  	v0 =	vmul.u32 $0x88, v0;
	s7 =	sadd.s32 $0x1000, s2;
	s1 =	sadd.s32 s1, s8;
	s8 =	sadd.s32 $0x2000, s2  }
0xf: {  	s0 =	smax.u32 s26, $0x1;
	s26 =	simm.s32 $0xE558;
	[dreg:$0x4] =	wrdreg s1  }
0x10: {  	v1 =	vadd.s32 $0x880, v0;
	v2 =	vadd.s32 $0x1100, v0;
	v3 =	vadd.s32 $0x1980, v0;
	[dreg:$0x5] =	wrdreg s0;
	s1 =	simm.s32 $0x2;
	s0 =	simm.s32 $0x4  }
.LBB2_1:
0x11: {  	[dreg:$0x6] =	wrdreg s14  }
0x12: {  	s5 =	rddreg [dreg:$0x4];
	s16 =	simm.s32 $0x5  }
0x13: {  	[tilespmem:s3], [sflag:$0x5] =	stream.linear.gather [hbm4b:s5+s3], $0x6400, $0x38;
	[tilespmem:$0xE800] =	vst v63  }
0x14: {  	_ =	swait.ge [sflag:s16], $0x6400  }
0x15: {  	s18 =	simm.s32 $0x80;
	[sflag:s16] =	ssyncset.done $0x0  }
0x16: {  	s21 =	simm.s32 $0x6400;
	[sflag:s16] =	ssyncadd.s32 $0xFFFF9C00;
	s16 =	simm.s32 $0x0  }
0x17: {  	[tilespmem:s21], [sflag:$0x1] =	stream.indirect.gather [hbm4b:s4+s18], $0x40, s3, s18, $0xb8;
	[tilespmem:$0xE800] =	vst v63  }
.LBB2_2:
0x18: {  	p0 =	seq.s32 s16, $0x0  }
0x19: {  	s14 =	simm.s32 @!p0 $0x3  }
0x1a: {  	_ =	swait.ge @!p0 [sflag:s14], $0x400  }
0x1b: {  	[sflag:s14] =	ssyncset.done @!p0 $0x0  }
0x1c: {  	[sflag:s14] =	ssyncadd.s32 @!p0 $0xFFFFFC00  }
0x1d: {  	_ =	swait.ge @!p0 [sflag:s14], $0x400  }
0x1e: {  	[sflag:s14] =	ssyncset.done @!p0 $0x0  }
0x1f: {  	[sflag:s14] =	ssyncadd.s32 @!p0 $0xFFFFFC00  }
0x20: {  	_ =	swait.ge @!p0 [sflag:s14], $0x400  }
0x21: {  	[sflag:s14] =	ssyncset.done @!p0 $0x0  }
0x22: {  	[sflag:s14] =	ssyncadd.s32 @!p0 $0xFFFFFC00  }
0x23: {  	_ =	swait.ge @!p0 [sflag:s14], $0x400  }
0x24: {  	[sflag:s14] =	ssyncset.done @!p0 $0x0  }
0x25: {  	[sflag:s14] =	ssyncadd.s32 @!p0 $0xFFFFFC00  }
0x26: {  	_ =	swait.ge @!p0 [sflag:s14], $0x400  }
0x27: {  	[sflag:s14] =	ssyncset.done @!p0 $0x0  }
0x28: {  	[sflag:s14] =	ssyncadd.s32 @!p0 $0xFFFFFC00  }
0x29: {  	_ =	swait.ge @!p0 [sflag:s14], $0x400  }
0x2a: {  	[sflag:s14] =	ssyncset.done @!p0 $0x0  }
0x2b: {  	[sflag:s14] =	ssyncadd.s32 @!p0 $0xFFFFFC00  }
0x2c: {  	_ =	swait.ge @!p0 [sflag:s14], $0x400  }
0x2d: {  	[sflag:s14] =	ssyncset.done @!p0 $0x0  }
0x2e: {  	s5 =	sshll.u32 s16, $0x1;
	[sflag:s14] =	ssyncadd.s32 @!p0 $0xFFFFFC00  }
0x2f: {  	s5 =	sor.u32 $0x1, s5;
	_ =	swait.ge @!p0 [sflag:s14], $0x400  }
0x30: {  	s21 =	simm.s32 $0x80;
	s15 =	sshll.u32 s5, $0x7;
	[sflag:s14] =	ssyncset.done @!p0 $0x0  }
0x31: {  	s18 =	simm.s32 $0x8400;
	s15 =	sand.u32 $0x3FFFFF80, s15;
	[sflag:s14] =	ssyncadd.s32 @!p0 $0xFFFFFC00  }
0x32: {  	[tilespmem:s18], [sflag:$0x2] =	stream.indirect.gather [hbm4b:s4+s21], $0x40, s15, s21, $0xb8;
	[tilespmem:$0xE800] =	vst v63  }
0x33: {  	s18 =	simm.s32 $0x0;
	_ =	swait.ge [sflag:s19], $0x2000  }
0x34: {  	v4 =	vmov s18;
	[sflag:s19] =	ssyncset.done $0x0  }
0x35: {  	s14 =	simm.s32 $0x6480;
	v4 =	vand.u32 $0x7C, v4;
	[sflag:s19] =	ssyncadd.s32 $0xFFFFE000  }
0x36: {  	v6 =	vadd.s32 v0, v4;
	v5 =	vld [tilespmem:s14+$0xFFFFFF80];
	_ =	sdelay $0x4  }
0x37: {  	[tilespmem:v6+s20+$0x0] =	vst.idx.msk $0xffff, v5  }
0x38: {  	v6 =	vadd.s32 v1, v4;
	v5 =	vld [tilespmem:s14+$0xFFFFFF90];
	_ =	sdelay $0x4  }
0x39: {  	[tilespmem:v6+s20+$0x0] =	vst.idx.msk $0xffff, v5  }
0x3a: {  	v6 =	vadd.s32 v2, v4;
	v5 =	vld [tilespmem:s14+$0xFFFFFFA0];
	_ =	sdelay $0x4  }
0x3b: {  	[tilespmem:v6+s20+$0x0] =	vst.idx.msk $0xffff, v5  }
0x3c: {  	v4 =	vadd.s32 v3, v4;
	v5 =	vld [tilespmem:s14+$0xFFFFFFB0];
	_ =	sdelay $0x2  }
0x3d: {  	s21 =	simm.s32 $0x1  }
0x3e: {  	v6 =	vmov s21  }
0x3f: {  	[tilespmem:v4+s20+$0x0] =	vst.idx.msk $0xffff, v5;
	v4 =	vand.u32 $0x7D, v6  }
0x40: {  	v5 =	vld [tilespmem:s14+$0xFFFFFFC0];
	v6 =	vadd.s32 v0, v4;
	_ =	sdelay $0x4  }
0x41: {  	[tilespmem:v6+s20+$0x0] =	vst.idx.msk $0xffff, v5  }
0x42: {  	v6 =	vadd.s32 v1, v4;
	v5 =	vld [tilespmem:s14+$0xFFFFFFD0];
	_ =	sdelay $0x4  }
0x43: {  	[tilespmem:v6+s20+$0x0] =	vst.idx.msk $0xffff, v5  }
0x44: {  	v6 =	vadd.s32 v2, v4;
	v5 =	vld [tilespmem:s14+$0xFFFFFFE0];
	_ =	sdelay $0x4  }
0x45: {  	[tilespmem:v6+s20+$0x0] =	vst.idx.msk $0xffff, v5  }
0x46: {  	v4 =	vadd.s32 v3, v4;
	v5 =	vld [tilespmem:s14+$0xFFFFFFF0];
	_ =	sdelay $0x2  }
0x47: {  	s18 =	simm.s32 $0x2  }
0x48: {  	v6 =	vmov s18  }
0x49: {  	[tilespmem:v4+s20+$0x0] =	vst.idx.msk $0xffff, v5;
	v4 =	vand.u32 $0x7E, v6  }
0x4a: {  	v5 =	vld [tilespmem:s14+$0x0];
	v6 =	vadd.s32 v0, v4;
	_ =	sdelay $0x4  }
0x4b: {  	[tilespmem:v6+s20+$0x0] =	vst.idx.msk $0xffff, v5  }
0x4c: {  	v6 =	vadd.s32 v1, v4;
	v5 =	vld [tilespmem:s14+$0x10];
	_ =	sdelay $0x4  }
0x4d: {  	[tilespmem:v6+s20+$0x0] =	vst.idx.msk $0xffff, v5  }
0x4e: {  	v6 =	vadd.s32 v2, v4;
	v5 =	vld [tilespmem:s14+$0x20];
	_ =	sdelay $0x4  }
0x4f: {  	[tilespmem:v6+s20+$0x0] =	vst.idx.msk $0xffff, v5  }
0x50: {  	v4 =	vadd.s32 v3, v4;
	v5 =	vld [tilespmem:s14+$0x30];
	_ =	sdelay $0x2  }
0x51: {  	s21 =	simm.s32 $0x3  }
0x52: {  	v6 =	vmov s21  }
0x53: {  	[tilespmem:v4+s20+$0x0] =	vst.idx.msk $0xffff, v5;
	v5 =	vand.u32 $0x7F, v6  }
0x54: {  	v4 =	vld [tilespmem:s14+$0x40];
	v6 =	vadd.s32 v0, v5;
	_ =	sdelay $0x4  }
0x55: {  	[tilespmem:v6+s20+$0x0] =	vst.idx.msk $0xffff, v4  }
0x56: {  	v6 =	vadd.s32 v1, v5;
	v4 =	vld [tilespmem:s14+$0x50];
	_ =	sdelay $0x4  }
0x57: {  	[tilespmem:v6+s20+$0x0] =	vst.idx.msk $0xffff, v4  }
0x58: {  	v6 =	vadd.s32 v2, v5;
	v4 =	vld [tilespmem:s14+$0x60];
	_ =	sdelay $0x4  }
0x59: {  	[tilespmem:v6+s20+$0x0] =	vst.idx.msk $0xffff, v4  }
0x5a: {  	v5 =	vadd.s32 v3, v5;
	v4 =	vld [tilespmem:s14+$0x70];
	_ =	sdelay $0x2  }
0x5b: {  	s15 =	simm.s32 $0x4  }
0x5c: {  	s18 =	simm.s32 $0x8;
	v6 =	vmov s15  }
.LBB2_3:
0x5d: {  	p0 =	sne.s32 s18, $0x7C;
	v6 =	vand.u32 $0x7C, v6;
	[tilespmem:v5+s20+$0x0] =	vst.idx.msk $0xffff, v4;
	s14 =	sadd.s32 $0x100, s14  }
0x5e: {  	v4 =	vld [tilespmem:s14+$0xFFFFFF80];
	v5 =	vadd.s32 v0, v6;
	_ =	sdelay $0x4  }
0x5f: {  	[tilespmem:v5+s20+$0x0] =	vst.idx.msk $0xffff, v4  }
0x60: {  	v5 =	vadd.s32 v1, v6;
	v4 =	vld [tilespmem:s14+$0xFFFFFF90];
	_ =	sdelay $0x4  }
0x61: {  	[tilespmem:v5+s20+$0x0] =	vst.idx.msk $0xffff, v4  }
0x62: {  	v5 =	vadd.s32 v2, v6;
	v4 =	vld [tilespmem:s14+$0xFFFFFFA0];
	_ =	sdelay $0x4  }
0x63: {  	[tilespmem:v5+s20+$0x0] =	vst.idx.msk $0xffff, v4  }
0x64: {  	v5 =	vadd.s32 v3, v6;
	v4 =	vld [tilespmem:s14+$0xFFFFFFB0];
	_ =	sdelay $0x2  }
0x65: {  	s21 =	sadd.s32 $0x1, s15  }
0x66: {  	v6 =	vmov s21  }
0x67: {  	[tilespmem:v5+s20+$0x0] =	vst.idx.msk $0xffff, v4;
	v4 =	vand.u32 $0x7D, v6  }
0x68: {  	v5 =	vld [tilespmem:s14+$0xFFFFFFC0];
	v6 =	vadd.s32 v0, v4;
	_ =	sdelay $0x4  }
0x69: {  	[tilespmem:v6+s20+$0x0] =	vst.idx.msk $0xffff, v5  }
0x6a: {  	v6 =	vadd.s32 v1, v4;
	v5 =	vld [tilespmem:s14+$0xFFFFFFD0];
	_ =	sdelay $0x4  }
0x6b: {  	[tilespmem:v6+s20+$0x0] =	vst.idx.msk $0xffff, v5  }
0x6c: {  	v6 =	vadd.s32 v2, v4;
	v5 =	vld [tilespmem:s14+$0xFFFFFFE0];
	_ =	sdelay $0x4  }
0x6d: {  	[tilespmem:v6+s20+$0x0] =	vst.idx.msk $0xffff, v5  }
0x6e: {  	v4 =	vadd.s32 v3, v4;
	v5 =	vld [tilespmem:s14+$0xFFFFFFF0];
	_ =	sdelay $0x2  }
0x6f: {  	s21 =	sadd.s32 $0x2, s15  }
0x70: {  	v6 =	vmov s21  }
0x71: {  	[tilespmem:v4+s20+$0x0] =	vst.idx.msk $0xffff, v5;
	v4 =	vand.u32 $0x7E, v6  }
0x72: {  	v5 =	vld [tilespmem:s14+$0x0];
	v6 =	vadd.s32 v0, v4;
	_ =	sdelay $0x4  }
0x73: {  	[tilespmem:v6+s20+$0x0] =	vst.idx.msk $0xffff, v5  }
0x74: {  	v6 =	vadd.s32 v1, v4;
	v5 =	vld [tilespmem:s14+$0x10];
	_ =	sdelay $0x4  }
0x75: {  	[tilespmem:v6+s20+$0x0] =	vst.idx.msk $0xffff, v5  }
0x76: {  	v6 =	vadd.s32 v2, v4;
	v5 =	vld [tilespmem:s14+$0x20];
	_ =	sdelay $0x4  }
0x77: {  	[tilespmem:v6+s20+$0x0] =	vst.idx.msk $0xffff, v5  }
0x78: {  	v4 =	vadd.s32 v3, v4;
	v5 =	vld [tilespmem:s14+$0x30];
	_ =	sdelay $0x2  }
0x79: {  	s21 =	sadd.s32 $0x3, s15;
	s15 =	smov.u32 s18  }
0x7a: {  	v6 =	vmov s21  }
0x7b: {  	[tilespmem:v4+s20+$0x0] =	vst.idx.msk $0xffff, v5;
	v5 =	vand.u32 $0x7F, v6  }
0x7c: {  	v4 =	vld [tilespmem:s14+$0x40];
	v6 =	vadd.s32 v0, v5;
	_ =	sdelay $0x4  }
0x7d: {  	[tilespmem:v6+s20+$0x0] =	vst.idx.msk $0xffff, v4  }
0x7e: {  	v6 =	vadd.s32 v1, v5;
	v4 =	vld [tilespmem:s14+$0x50];
	_ =	sdelay $0x4  }
0x7f: {  	[tilespmem:v6+s20+$0x0] =	vst.idx.msk $0xffff, v4  }
0x80: {  	v6 =	vadd.s32 v2, v5;
	v4 =	vld [tilespmem:s14+$0x60];
	_ =	sdelay $0x4  }
0x81: {  	[tilespmem:v6+s20+$0x0] =	vst.idx.msk $0xffff, v4  }
.Ltmp0:
0x82: {  	v5 =	vadd.s32 v3, v5;
	v4 =	vld [tilespmem:s14+$0x70];
	(pc) =	sbr.rel @p0 .LBB2_3-.Ltmp0, $2  }
0x83: {  	_ =	sdelay $0x2  }
0x84: {  	s18 =	sadd.s32 $0x4, s18;
	v6 =	vmov s15  }
0x85: {  	_ =	sdelay $0x3  }
0x86: {  	v6 =	vand.u32 $0x7C, v6;
	[tilespmem:v5+s20+$0x0] =	vst.idx.msk $0xffff, v4;
	s14 =	sadd.s32 $0x100, s14  }
0x87: {  	v4 =	vld [tilespmem:s14+$0xFFFFFF80];
	v5 =	vadd.s32 v0, v6;
	_ =	sdelay $0x4  }
0x88: {  	[tilespmem:v5+s20+$0x0] =	vst.idx.msk $0xffff, v4  }
0x89: {  	v5 =	vadd.s32 v1, v6;
	v4 =	vld [tilespmem:s14+$0xFFFFFF90];
	_ =	sdelay $0x4  }
0x8a: {  	[tilespmem:v5+s20+$0x0] =	vst.idx.msk $0xffff, v4  }
0x8b: {  	v5 =	vadd.s32 v2, v6;
	v4 =	vld [tilespmem:s14+$0xFFFFFFA0];
	_ =	sdelay $0x4  }
0x8c: {  	[tilespmem:v5+s20+$0x0] =	vst.idx.msk $0xffff, v4  }
0x8d: {  	v5 =	vadd.s32 v3, v6;
	v4 =	vld [tilespmem:s14+$0xFFFFFFB0];
	_ =	sdelay $0x2  }
0x8e: {  	s18 =	sadd.s32 $0x1, s15  }
0x8f: {  	v6 =	vmov s18  }
0x90: {  	[tilespmem:v5+s20+$0x0] =	vst.idx.msk $0xffff, v4;
	v4 =	vand.u32 $0x7D, v6  }
0x91: {  	v5 =	vld [tilespmem:s14+$0xFFFFFFC0];
	v6 =	vadd.s32 v0, v4;
	_ =	sdelay $0x4  }
0x92: {  	[tilespmem:v6+s20+$0x0] =	vst.idx.msk $0xffff, v5  }
0x93: {  	v6 =	vadd.s32 v1, v4;
	v5 =	vld [tilespmem:s14+$0xFFFFFFD0];
	_ =	sdelay $0x4  }
0x94: {  	[tilespmem:v6+s20+$0x0] =	vst.idx.msk $0xffff, v5  }
0x95: {  	v6 =	vadd.s32 v2, v4;
	v5 =	vld [tilespmem:s14+$0xFFFFFFE0];
	_ =	sdelay $0x4  }
0x96: {  	[tilespmem:v6+s20+$0x0] =	vst.idx.msk $0xffff, v5  }
0x97: {  	v4 =	vadd.s32 v3, v4;
	v5 =	vld [tilespmem:s14+$0xFFFFFFF0];
	_ =	sdelay $0x2  }
0x98: {  	s21 =	sadd.s32 $0x2, s15  }
0x99: {  	v6 =	vmov s21  }
0x9a: {  	[tilespmem:v4+s20+$0x0] =	vst.idx.msk $0xffff, v5;
	v4 =	vand.u32 $0x7E, v6  }
0x9b: {  	v5 =	vld [tilespmem:s14+$0x0];
	v6 =	vadd.s32 v0, v4;
	_ =	sdelay $0x4  }
0x9c: {  	[tilespmem:v6+s20+$0x0] =	vst.idx.msk $0xffff, v5  }
0x9d: {  	v6 =	vadd.s32 v1, v4;
	v5 =	vld [tilespmem:s14+$0x10];
	_ =	sdelay $0x4  }
0x9e: {  	[tilespmem:v6+s20+$0x0] =	vst.idx.msk $0xffff, v5  }
0x9f: {  	v6 =	vadd.s32 v2, v4;
	v5 =	vld [tilespmem:s14+$0x20];
	_ =	sdelay $0x4  }
0xa0: {  	[tilespmem:v6+s20+$0x0] =	vst.idx.msk $0xffff, v5  }
0xa1: {  	v4 =	vadd.s32 v3, v4;
	v5 =	vld [tilespmem:s14+$0x30];
	_ =	sdelay $0x2  }
0xa2: {  	s21 =	sadd.s32 $0x3, s15  }
0xa3: {  	v6 =	vmov s21  }
0xa4: {  	[tilespmem:v4+s20+$0x0] =	vst.idx.msk $0xffff, v5;
	v4 =	vand.u32 $0x7F, v6  }
0xa5: {  	v5 =	vld [tilespmem:s14+$0x40];
	v6 =	vadd.s32 v0, v4;
	_ =	sdelay $0x4  }
0xa6: {  	[tilespmem:v6+s20+$0x0] =	vst.idx.msk $0xffff, v5  }
0xa7: {  	v6 =	vadd.s32 v1, v4;
	v5 =	vld [tilespmem:s14+$0x50];
	_ =	sdelay $0x4  }
0xa8: {  	[tilespmem:v6+s20+$0x0] =	vst.idx.msk $0xffff, v5  }
0xa9: {  	v6 =	vadd.s32 v2, v4;
	v5 =	vld [tilespmem:s14+$0x60];
	_ =	sdelay $0x4  }
0xaa: {  	[tilespmem:v6+s20+$0x0] =	vst.idx.msk $0xffff, v5  }
0xab: {  	v4 =	vadd.s32 v3, v4;
	v5 =	vld [tilespmem:s14+$0x70];
	_ =	sdelay $0x1  }
0xac: {  	s18 =	sshll.u32 s16, $0x13  }
0xad: {  	s14 =	sor.u32 s6, s18  }
0xae: {  	s14 =	sshrl.u32 s14, $0x3  }
0xaf: {  	s15 =	sadd.s32 s2, s14;
	[tilespmem:v4+s20+$0x0] =	vst.idx.msk $0xffff, v5  }
0xb0: {  	[hbm4b:s15+s3] =	stream.linear.scatter [tilespmem:s20], [sflag:$0x3], $0x80, $0x38;
	[tilespmem:$0xE800] =	vst v63  }
0xb1: {  	s21 =	simm.s32 $0xA488;
	s18 =	sadd.s32 $0x10, s15  }
0xb2: {  	[hbm4b:s18+s3] =	stream.linear.scatter [tilespmem:s21], [sflag:$0x3], $0x80, $0x38;
	[tilespmem:$0xE800] =	vst v63  }
0xb3: {  	s18 =	sadd.s32 $0x20, s15;
	s21 =	simm.s32 $0xA510  }
0xb4: {  	[hbm4b:s18+s3] =	stream.linear.scatter [tilespmem:s21], [sflag:$0x3], $0x80, $0x38;
	[tilespmem:$0xE800] =	vst v63  }
0xb5: {  	s18 =	sadd.s32 $0x30, s15;
	s21 =	simm.s32 $0xA598  }
0xb6: {  	[hbm4b:s18+s3] =	stream.linear.scatter [tilespmem:s21], [sflag:$0x3], $0x80, $0x38;
	[tilespmem:$0xE800] =	vst v63  }
0xb7: {  	s18 =	sadd.s32 $0x40, s15;
	s21 =	simm.s32 $0xA620  }
0xb8: {  	[hbm4b:s18+s3] =	stream.linear.scatter [tilespmem:s21], [sflag:$0x3], $0x80, $0x38;
	[tilespmem:$0xE800] =	vst v63  }
0xb9: {  	s18 =	sadd.s32 $0x50, s15;
	s21 =	simm.s32 $0xA6A8  }
0xba: {  	[hbm4b:s18+s3] =	stream.linear.scatter [tilespmem:s21], [sflag:$0x3], $0x80, $0x38;
	[tilespmem:$0xE800] =	vst v63  }
0xbb: {  	s18 =	sadd.s32 $0x60, s15;
	s21 =	simm.s32 $0xA730  }
0xbc: {  	[hbm4b:s18+s3] =	stream.linear.scatter [tilespmem:s21], [sflag:$0x3], $0x80, $0x38;
	[tilespmem:$0xE800] =	vst v63  }
0xbd: {  	s15 =	sadd.s32 $0x70, s15;
	s21 =	simm.s32 $0xA7B8  }
0xbe: {  	[hbm4b:s15+s3] =	stream.linear.scatter [tilespmem:s21], [sflag:$0x3], $0x80, $0x38;
	[tilespmem:$0xE800] =	vst v63  }
0xbf: {  	s15 =	sadd.s32 s14, s7;
	s21 =	simm.s32 $0xA840  }
0xc0: {  	[hbm4b:s15+s3] =	stream.linear.scatter [tilespmem:s21], [sflag:$0x3], $0x80, $0x38;
	[tilespmem:$0xE800] =	vst v63  }
0xc1: {  	s18 =	sadd.s32 $0x10, s15;
	s21 =	simm.s32 $0xA8C8  }
0xc2: {  	[hbm4b:s18+s3] =	stream.linear.scatter [tilespmem:s21], [sflag:$0x3], $0x80, $0x38;
	[tilespmem:$0xE800] =	vst v63  }
0xc3: {  	s18 =	sadd.s32 $0x20, s15;
	s21 =	simm.s32 $0xA950  }
0xc4: {  	[hbm4b:s18+s3] =	stream.linear.scatter [tilespmem:s21], [sflag:$0x3], $0x80, $0x38;
	[tilespmem:$0xE800] =	vst v63  }
0xc5: {  	s18 =	sadd.s32 $0x30, s15;
	s21 =	simm.s32 $0xA9D8  }
0xc6: {  	[hbm4b:s18+s3] =	stream.linear.scatter [tilespmem:s21], [sflag:$0x3], $0x80, $0x38;
	[tilespmem:$0xE800] =	vst v63  }
0xc7: {  	s18 =	sadd.s32 $0x40, s15;
	s21 =	simm.s32 $0xAA60  }
0xc8: {  	[hbm4b:s18+s3] =	stream.linear.scatter [tilespmem:s21], [sflag:$0x3], $0x80, $0x38;
	[tilespmem:$0xE800] =	vst v63  }
0xc9: {  	s18 =	sadd.s32 $0x50, s15;
	s21 =	simm.s32 $0xAAE8  }
0xca: {  	[hbm4b:s18+s3] =	stream.linear.scatter [tilespmem:s21], [sflag:$0x3], $0x80, $0x38;
	[tilespmem:$0xE800] =	vst v63  }
0xcb: {  	s18 =	sadd.s32 $0x60, s15;
	s21 =	simm.s32 $0xAB70  }
0xcc: {  	[hbm4b:s18+s3] =	stream.linear.scatter [tilespmem:s21], [sflag:$0x3], $0x80, $0x38;
	[tilespmem:$0xE800] =	vst v63  }
0xcd: {  	s15 =	sadd.s32 $0x70, s15;
	s21 =	simm.s32 $0xABF8  }
0xce: {  	[hbm4b:s15+s3] =	stream.linear.scatter [tilespmem:s21], [sflag:$0x3], $0x80, $0x38;
	[tilespmem:$0xE800] =	vst v63  }
0xcf: {  	s15 =	sadd.s32 s14, s8;
	s21 =	simm.s32 $0xAC80  }
0xd0: {  	[hbm4b:s15+s3] =	stream.linear.scatter [tilespmem:s21], [sflag:$0x3], $0x80, $0x38;
	[tilespmem:$0xE800] =	vst v63  }
0xd1: {  	s18 =	sadd.s32 $0x10, s15;
	s21 =	simm.s32 $0xAD08  }
0xd2: {  	[hbm4b:s18+s3] =	stream.linear.scatter [tilespmem:s21], [sflag:$0x3], $0x80, $0x38;
	[tilespmem:$0xE800] =	vst v63  }
0xd3: {  	s18 =	sadd.s32 $0x20, s15;
	s21 =	simm.s32 $0xAD90  }
0xd4: {  	[hbm4b:s18+s3] =	stream.linear.scatter [tilespmem:s21], [sflag:$0x3], $0x80, $0x38;
	[tilespmem:$0xE800] =	vst v63  }
0xd5: {  	s18 =	sadd.s32 $0x30, s15;
	s21 =	simm.s32 $0xAE18  }
0xd6: {  	[hbm4b:s18+s3] =	stream.linear.scatter [tilespmem:s21], [sflag:$0x3], $0x80, $0x38;
	[tilespmem:$0xE800] =	vst v63  }
0xd7: {  	s18 =	sadd.s32 $0x40, s15;
	s21 =	simm.s32 $0xAEA0  }
0xd8: {  	[hbm4b:s18+s3] =	stream.linear.scatter [tilespmem:s21], [sflag:$0x3], $0x80, $0x38;
	[tilespmem:$0xE800] =	vst v63  }
0xd9: {  	s18 =	sadd.s32 $0x50, s15;
	s21 =	simm.s32 $0xAF28  }
0xda: {  	[hbm4b:s18+s3] =	stream.linear.scatter [tilespmem:s21], [sflag:$0x3], $0x80, $0x38;
	[tilespmem:$0xE800] =	vst v63  }
0xdb: {  	s18 =	sadd.s32 $0x60, s15;
	s21 =	simm.s32 $0xAFB0  }
0xdc: {  	[hbm4b:s18+s3] =	stream.linear.scatter [tilespmem:s21], [sflag:$0x3], $0x80, $0x38;
	[tilespmem:$0xE800] =	vst v63  }
0xdd: {  	s15 =	sadd.s32 $0x70, s15;
	s21 =	simm.s32 $0xB038  }
0xde: {  	[hbm4b:s15+s3] =	stream.linear.scatter [tilespmem:s21], [sflag:$0x3], $0x80, $0x38;
	[tilespmem:$0xE800] =	vst v63  }
0xdf: {  	s15 =	sadd.s32 s14, s9;
	s21 =	simm.s32 $0xB0C0  }
0xe0: {  	[hbm4b:s15+s3] =	stream.linear.scatter [tilespmem:s21], [sflag:$0x3], $0x80, $0x38;
	[tilespmem:$0xE800] =	vst v63  }
0xe1: {  	s18 =	sadd.s32 $0x10, s15;
	s21 =	simm.s32 $0xB148  }
0xe2: {  	[hbm4b:s18+s3] =	stream.linear.scatter [tilespmem:s21], [sflag:$0x3], $0x80, $0x38;
	[tilespmem:$0xE800] =	vst v63  }
0xe3: {  	s18 =	sadd.s32 $0x20, s15;
	s21 =	simm.s32 $0xB1D0  }
0xe4: {  	[hbm4b:s18+s3] =	stream.linear.scatter [tilespmem:s21], [sflag:$0x3], $0x80, $0x38;
	[tilespmem:$0xE800] =	vst v63  }
0xe5: {  	s18 =	sadd.s32 $0x30, s15;
	s21 =	simm.s32 $0xB258  }
0xe6: {  	[hbm4b:s18+s3] =	stream.linear.scatter [tilespmem:s21], [sflag:$0x3], $0x80, $0x38;
	[tilespmem:$0xE800] =	vst v63  }
0xe7: {  	s18 =	sadd.s32 $0x40, s15;
	s21 =	simm.s32 $0xB2E0  }
0xe8: {  	[hbm4b:s18+s3] =	stream.linear.scatter [tilespmem:s21], [sflag:$0x3], $0x80, $0x38;
	[tilespmem:$0xE800] =	vst v63  }
0xe9: {  	s18 =	sadd.s32 $0x50, s15;
	s21 =	simm.s32 $0xB368  }
0xea: {  	[hbm4b:s18+s3] =	stream.linear.scatter [tilespmem:s21], [sflag:$0x3], $0x80, $0x38;
	[tilespmem:$0xE800] =	vst v63  }
0xeb: {  	s18 =	sadd.s32 $0x60, s15;
	s21 =	simm.s32 $0xB3F0  }
0xec: {  	[hbm4b:s18+s3] =	stream.linear.scatter [tilespmem:s21], [sflag:$0x3], $0x80, $0x38;
	[tilespmem:$0xE800] =	vst v63  }
0xed: {  	s15 =	sadd.s32 $0x70, s15;
	s21 =	simm.s32 $0xB478  }
0xee: {  	[hbm4b:s15+s3] =	stream.linear.scatter [tilespmem:s21], [sflag:$0x3], $0x80, $0x38;
	[tilespmem:$0xE800] =	vst v63  }
0xef: {  	s15 =	sadd.s32 s14, s10;
	s21 =	simm.s32 $0xB500  }
0xf0: {  	[hbm4b:s15+s3] =	stream.linear.scatter [tilespmem:s21], [sflag:$0x3], $0x80, $0x38;
	[tilespmem:$0xE800] =	vst v63  }
0xf1: {  	s18 =	sadd.s32 $0x10, s15;
	s21 =	simm.s32 $0xB588  }
0xf2: {  	[hbm4b:s18+s3] =	stream.linear.scatter [tilespmem:s21], [sflag:$0x3], $0x80, $0x38;
	[tilespmem:$0xE800] =	vst v63  }
0xf3: {  	s18 =	sadd.s32 $0x20, s15;
	s21 =	simm.s32 $0xB610  }
0xf4: {  	[hbm4b:s18+s3] =	stream.linear.scatter [tilespmem:s21], [sflag:$0x3], $0x80, $0x38;
	[tilespmem:$0xE800] =	vst v63  }
0xf5: {  	s18 =	sadd.s32 $0x30, s15;
	s21 =	simm.s32 $0xB698  }
0xf6: {  	[hbm4b:s18+s3] =	stream.linear.scatter [tilespmem:s21], [sflag:$0x3], $0x80, $0x38;
	[tilespmem:$0xE800] =	vst v63  }
0xf7: {  	s18 =	sadd.s32 $0x40, s15;
	s21 =	simm.s32 $0xB720  }
0xf8: {  	[hbm4b:s18+s3] =	stream.linear.scatter [tilespmem:s21], [sflag:$0x3], $0x80, $0x38;
	[tilespmem:$0xE800] =	vst v63  }
0xf9: {  	s18 =	sadd.s32 $0x50, s15;
	s21 =	simm.s32 $0xB7A8  }
0xfa: {  	[hbm4b:s18+s3] =	stream.linear.scatter [tilespmem:s21], [sflag:$0x3], $0x80, $0x38;
	[tilespmem:$0xE800] =	vst v63  }
0xfb: {  	s18 =	sadd.s32 $0x60, s15;
	s21 =	simm.s32 $0xB830  }
0xfc: {  	[hbm4b:s18+s3] =	stream.linear.scatter [tilespmem:s21], [sflag:$0x3], $0x80, $0x38;
	[tilespmem:$0xE800] =	vst v63  }
0xfd: {  	s15 =	sadd.s32 $0x70, s15;
	s21 =	simm.s32 $0xB8B8  }
0xfe: {  	[hbm4b:s15+s3] =	stream.linear.scatter [tilespmem:s21], [sflag:$0x3], $0x80, $0x38;
	[tilespmem:$0xE800] =	vst v63  }
0xff: {  	s15 =	sadd.s32 s14, s11;
	s21 =	simm.s32 $0xB940  }
0x100: {  	[hbm4b:s15+s3] =	stream.linear.scatter [tilespmem:s21], [sflag:$0x3], $0x80, $0x38;
	[tilespmem:$0xE800] =	vst v63  }
0x101: {  	s18 =	sadd.s32 $0x10, s15;
	s21 =	simm.s32 $0xB9C8  }
0x102: {  	[hbm4b:s18+s3] =	stream.linear.scatter [tilespmem:s21], [sflag:$0x3], $0x80, $0x38;
	[tilespmem:$0xE800] =	vst v63  }
0x103: {  	s18 =	sadd.s32 $0x20, s15;
	s21 =	simm.s32 $0xBA50  }
0x104: {  	[hbm4b:s18+s3] =	stream.linear.scatter [tilespmem:s21], [sflag:$0x3], $0x80, $0x38;
	[tilespmem:$0xE800] =	vst v63  }
0x105: {  	s18 =	sadd.s32 $0x30, s15;
	s21 =	simm.s32 $0xBAD8  }
0x106: {  	[hbm4b:s18+s3] =	stream.linear.scatter [tilespmem:s21], [sflag:$0x3], $0x80, $0x38;
	[tilespmem:$0xE800] =	vst v63  }
0x107: {  	s18 =	sadd.s32 $0x40, s15;
	s21 =	simm.s32 $0xBB60  }
0x108: {  	[hbm4b:s18+s3] =	stream.linear.scatter [tilespmem:s21], [sflag:$0x3], $0x80, $0x38;
	[tilespmem:$0xE800] =	vst v63  }
0x109: {  	s18 =	sadd.s32 $0x50, s15;
	s21 =	simm.s32 $0xBBE8  }
0x10a: {  	[hbm4b:s18+s3] =	stream.linear.scatter [tilespmem:s21], [sflag:$0x3], $0x80, $0x38;
	[tilespmem:$0xE800] =	vst v63  }
0x10b: {  	s18 =	sadd.s32 $0x60, s15;
	s21 =	simm.s32 $0xBC70  }
0x10c: {  	[hbm4b:s18+s3] =	stream.linear.scatter [tilespmem:s21], [sflag:$0x3], $0x80, $0x38;
	[tilespmem:$0xE800] =	vst v63  }
0x10d: {  	s15 =	sadd.s32 $0x70, s15;
	s21 =	simm.s32 $0xBCF8  }
0x10e: {  	[hbm4b:s15+s3] =	stream.linear.scatter [tilespmem:s21], [sflag:$0x3], $0x80, $0x38;
	[tilespmem:$0xE800] =	vst v63  }
0x10f: {  	s15 =	sadd.s32 s14, s12;
	s21 =	simm.s32 $0xBD80  }
0x110: {  	[hbm4b:s15+s3] =	stream.linear.scatter [tilespmem:s21], [sflag:$0x3], $0x80, $0x38;
	[tilespmem:$0xE800] =	vst v63  }
0x111: {  	s18 =	sadd.s32 $0x10, s15;
	s21 =	simm.s32 $0xBE08  }
0x112: {  	[hbm4b:s18+s3] =	stream.linear.scatter [tilespmem:s21], [sflag:$0x3], $0x80, $0x38;
	[tilespmem:$0xE800] =	vst v63  }
0x113: {  	s18 =	sadd.s32 $0x20, s15;
	s21 =	simm.s32 $0xBE90  }
0x114: {  	[hbm4b:s18+s3] =	stream.linear.scatter [tilespmem:s21], [sflag:$0x3], $0x80, $0x38;
	[tilespmem:$0xE800] =	vst v63  }
0x115: {  	s18 =	sadd.s32 $0x30, s15;
	s21 =	simm.s32 $0xBF18  }
0x116: {  	[hbm4b:s18+s3] =	stream.linear.scatter [tilespmem:s21], [sflag:$0x3], $0x80, $0x38;
	[tilespmem:$0xE800] =	vst v63  }
0x117: {  	s18 =	sadd.s32 $0x40, s15;
	s21 =	simm.s32 $0xBFA0  }
0x118: {  	[hbm4b:s18+s3] =	stream.linear.scatter [tilespmem:s21], [sflag:$0x3], $0x80, $0x38;
	[tilespmem:$0xE800] =	vst v63  }
0x119: {  	s18 =	sadd.s32 $0x50, s15;
	s21 =	simm.s32 $0xC028  }
0x11a: {  	[hbm4b:s18+s3] =	stream.linear.scatter [tilespmem:s21], [sflag:$0x3], $0x80, $0x38;
	[tilespmem:$0xE800] =	vst v63  }
0x11b: {  	s18 =	sadd.s32 $0x60, s15;
	s21 =	simm.s32 $0xC0B0  }
0x11c: {  	[hbm4b:s18+s3] =	stream.linear.scatter [tilespmem:s21], [sflag:$0x3], $0x80, $0x38;
	[tilespmem:$0xE800] =	vst v63  }
0x11d: {  	s15 =	sadd.s32 $0x70, s15;
	s21 =	simm.s32 $0xC138  }
0x11e: {  	[hbm4b:s15+s3] =	stream.linear.scatter [tilespmem:s21], [sflag:$0x3], $0x80, $0x38;
	[tilespmem:$0xE800] =	vst v63  }
0x11f: {  	s14 =	sadd.s32 s14, s13;
	s21 =	simm.s32 $0xC1C0  }
0x120: {  	[hbm4b:s14+s3] =	stream.linear.scatter [tilespmem:s21], [sflag:$0x3], $0x80, $0x38;
	[tilespmem:$0xE800] =	vst v63  }
0x121: {  	s18 =	sadd.s32 $0x10, s14;
	s21 =	simm.s32 $0xC248  }
0x122: {  	[hbm4b:s18+s3] =	stream.linear.scatter [tilespmem:s21], [sflag:$0x3], $0x80, $0x38;
	[tilespmem:$0xE800] =	vst v63  }
0x123: {  	s18 =	sadd.s32 $0x20, s14;
	s21 =	simm.s32 $0xC2D0  }
0x124: {  	[hbm4b:s18+s3] =	stream.linear.scatter [tilespmem:s21], [sflag:$0x3], $0x80, $0x38;
	[tilespmem:$0xE800] =	vst v63  }
0x125: {  	s18 =	sadd.s32 $0x30, s14;
	s21 =	simm.s32 $0xC358  }
0x126: {  	[hbm4b:s18+s3] =	stream.linear.scatter [tilespmem:s21], [sflag:$0x3], $0x80, $0x38;
	[tilespmem:$0xE800] =	vst v63  }
0x127: {  	s18 =	sadd.s32 $0x40, s14;
	s21 =	simm.s32 $0xC3E0  }
0x128: {  	[hbm4b:s18+s3] =	stream.linear.scatter [tilespmem:s21], [sflag:$0x3], $0x80, $0x38;
	[tilespmem:$0xE800] =	vst v63  }
0x129: {  	s18 =	sadd.s32 $0x50, s14;
	s21 =	simm.s32 $0xC468  }
0x12a: {  	[hbm4b:s18+s3] =	stream.linear.scatter [tilespmem:s21], [sflag:$0x3], $0x80, $0x38;
	[tilespmem:$0xE800] =	vst v63  }
0x12b: {  	s18 =	sadd.s32 $0x60, s14;
	s21 =	simm.s32 $0xC4F0  }
0x12c: {  	[hbm4b:s18+s3] =	stream.linear.scatter [tilespmem:s21], [sflag:$0x3], $0x80, $0x38;
	[tilespmem:$0xE800] =	vst v63  }
0x12d: {  	p0 =	seq.s32 s16, $0x63;
	s14 =	sadd.s32 $0x70, s14;
	s21 =	simm.s32 $0xC578  }
0x12e: {  	[hbm4b:s14+s3] =	stream.linear.scatter [tilespmem:s21], [sflag:$0x3], $0x80, $0x38;
	[tilespmem:$0xE800] =	vst v63  }
0x12f: {  	s14 =	sshll.u32 @!p0 s16, $0x8  }
0x130: {  	p1 =	seq.s32 @!p0 s16, $0x0;
	s14 =	sand.u32 @!p0 $0x3FFFFF00, s14  }
0x131: {  	s15 =	simm.s32 @!p0 $0x80;
	s18 =	simm.s32 @!p0 $0x6400;
	s14 =	sadd.s32 @!p0 $0x100, s14  }
0x132: {  	[tilespmem:s18], [sflag:$0x1] =	stream.indirect.gather @!p0 [hbm4b:s4+s15], $0x40, s14, s15, $0xb8;
	[tilespmem:$0xE800] =	vst v63  }
0x133: {  	p0 =	por p0, !p1  }
0x134: {  	_ =	swait.ge @p0 [sflag:s0], $0x400  }
0x135: {  	[sflag:s0] =	ssyncset.done @p0 $0x0  }
0x136: {  	[sflag:s0] =	ssyncadd.s32 @p0 $0xFFFFFC00  }
0x137: {  	_ =	swait.ge @p0 [sflag:s0], $0x400  }
0x138: {  	[sflag:s0] =	ssyncset.done @p0 $0x0  }
0x139: {  	[sflag:s0] =	ssyncadd.s32 @p0 $0xFFFFFC00  }
0x13a: {  	_ =	swait.ge @p0 [sflag:s0], $0x400  }
0x13b: {  	[sflag:s0] =	ssyncset.done @p0 $0x0  }
0x13c: {  	[sflag:s0] =	ssyncadd.s32 @p0 $0xFFFFFC00  }
0x13d: {  	_ =	swait.ge @p0 [sflag:s0], $0x400  }
0x13e: {  	[sflag:s0] =	ssyncset.done @p0 $0x0  }
0x13f: {  	[sflag:s0] =	ssyncadd.s32 @p0 $0xFFFFFC00  }
0x140: {  	_ =	swait.ge @p0 [sflag:s0], $0x400  }
0x141: {  	[sflag:s0] =	ssyncset.done @p0 $0x0  }
0x142: {  	[sflag:s0] =	ssyncadd.s32 @p0 $0xFFFFFC00  }
0x143: {  	_ =	swait.ge @p0 [sflag:s0], $0x400  }
0x144: {  	[sflag:s0] =	ssyncset.done @p0 $0x0  }
0x145: {  	[sflag:s0] =	ssyncadd.s32 @p0 $0xFFFFFC00  }
0x146: {  	_ =	swait.ge @p0 [sflag:s0], $0x400  }
0x147: {  	[sflag:s0] =	ssyncset.done @p0 $0x0  }
0x148: {  	[sflag:s0] =	ssyncadd.s32 @p0 $0xFFFFFC00  }
0x149: {  	_ =	swait.ge @p0 [sflag:s0], $0x400  }
0x14a: {  	[sflag:s0] =	ssyncset.done @p0 $0x0  }
0x14b: {  	[sflag:s0] =	ssyncadd.s32 @p0 $0xFFFFFC00  }
0x14c: {  	s18 =	simm.s32 $0x0;
	_ =	swait.ge [sflag:s1], $0x2000  }
0x14d: {  	v4 =	vmov s18;
	[sflag:s1] =	ssyncset.done $0x0  }
0x14e: {  	s14 =	simm.s32 $0x8480;
	v4 =	vand.u32 $0x7C, v4;
	[sflag:s1] =	ssyncadd.s32 $0xFFFFE000  }
0x14f: {  	v6 =	vadd.s32 v0, v4;
	v5 =	vld [tilespmem:s14+$0xFFFFFF80];
	_ =	sdelay $0x4  }
0x150: {  	[tilespmem:v6+s17+$0x0] =	vst.idx.msk $0xffff, v5  }
0x151: {  	v6 =	vadd.s32 v1, v4;
	v5 =	vld [tilespmem:s14+$0xFFFFFF90];
	_ =	sdelay $0x4  }
0x152: {  	[tilespmem:v6+s17+$0x0] =	vst.idx.msk $0xffff, v5  }
0x153: {  	v6 =	vadd.s32 v2, v4;
	v5 =	vld [tilespmem:s14+$0xFFFFFFA0];
	_ =	sdelay $0x4  }
0x154: {  	[tilespmem:v6+s17+$0x0] =	vst.idx.msk $0xffff, v5  }
0x155: {  	v4 =	vadd.s32 v3, v4;
	v5 =	vld [tilespmem:s14+$0xFFFFFFB0];
	_ =	sdelay $0x2  }
0x156: {  	s21 =	simm.s32 $0x1  }
0x157: {  	v6 =	vmov s21  }
0x158: {  	[tilespmem:v4+s17+$0x0] =	vst.idx.msk $0xffff, v5;
	v4 =	vand.u32 $0x7D, v6  }
0x159: {  	v5 =	vld [tilespmem:s14+$0xFFFFFFC0];
	v6 =	vadd.s32 v0, v4;
	_ =	sdelay $0x4  }
0x15a: {  	[tilespmem:v6+s17+$0x0] =	vst.idx.msk $0xffff, v5  }
0x15b: {  	v6 =	vadd.s32 v1, v4;
	v5 =	vld [tilespmem:s14+$0xFFFFFFD0];
	_ =	sdelay $0x4  }
0x15c: {  	[tilespmem:v6+s17+$0x0] =	vst.idx.msk $0xffff, v5  }
0x15d: {  	v6 =	vadd.s32 v2, v4;
	v5 =	vld [tilespmem:s14+$0xFFFFFFE0];
	_ =	sdelay $0x4  }
0x15e: {  	[tilespmem:v6+s17+$0x0] =	vst.idx.msk $0xffff, v5  }
0x15f: {  	v4 =	vadd.s32 v3, v4;
	v5 =	vld [tilespmem:s14+$0xFFFFFFF0];
	_ =	sdelay $0x2  }
0x160: {  	s18 =	simm.s32 $0x2  }
0x161: {  	v6 =	vmov s18  }
0x162: {  	[tilespmem:v4+s17+$0x0] =	vst.idx.msk $0xffff, v5;
	v4 =	vand.u32 $0x7E, v6  }
0x163: {  	v5 =	vld [tilespmem:s14+$0x0];
	v6 =	vadd.s32 v0, v4;
	_ =	sdelay $0x4  }
0x164: {  	[tilespmem:v6+s17+$0x0] =	vst.idx.msk $0xffff, v5  }
0x165: {  	v6 =	vadd.s32 v1, v4;
	v5 =	vld [tilespmem:s14+$0x10];
	_ =	sdelay $0x4  }
0x166: {  	[tilespmem:v6+s17+$0x0] =	vst.idx.msk $0xffff, v5  }
0x167: {  	v6 =	vadd.s32 v2, v4;
	v5 =	vld [tilespmem:s14+$0x20];
	_ =	sdelay $0x4  }
0x168: {  	[tilespmem:v6+s17+$0x0] =	vst.idx.msk $0xffff, v5  }
0x169: {  	v4 =	vadd.s32 v3, v4;
	v5 =	vld [tilespmem:s14+$0x30];
	_ =	sdelay $0x2  }
0x16a: {  	s21 =	simm.s32 $0x3  }
0x16b: {  	v6 =	vmov s21  }
0x16c: {  	[tilespmem:v4+s17+$0x0] =	vst.idx.msk $0xffff, v5;
	v5 =	vand.u32 $0x7F, v6  }
0x16d: {  	v4 =	vld [tilespmem:s14+$0x40];
	v6 =	vadd.s32 v0, v5;
	_ =	sdelay $0x4  }
0x16e: {  	[tilespmem:v6+s17+$0x0] =	vst.idx.msk $0xffff, v4  }
0x16f: {  	v6 =	vadd.s32 v1, v5;
	v4 =	vld [tilespmem:s14+$0x50];
	_ =	sdelay $0x4  }
0x170: {  	[tilespmem:v6+s17+$0x0] =	vst.idx.msk $0xffff, v4  }
0x171: {  	v6 =	vadd.s32 v2, v5;
	v4 =	vld [tilespmem:s14+$0x60];
	_ =	sdelay $0x4  }
0x172: {  	[tilespmem:v6+s17+$0x0] =	vst.idx.msk $0xffff, v4  }
0x173: {  	v5 =	vadd.s32 v3, v5;
	v4 =	vld [tilespmem:s14+$0x70];
	_ =	sdelay $0x2  }
0x174: {  	s15 =	simm.s32 $0x4  }
0x175: {  	s18 =	simm.s32 $0x8;
	v6 =	vmov s15  }
.LBB2_5:
0x176: {  	p0 =	sne.s32 s18, $0x7C;
	v6 =	vand.u32 $0x7C, v6;
	[tilespmem:v5+s17+$0x0] =	vst.idx.msk $0xffff, v4;
	s14 =	sadd.s32 $0x100, s14  }
0x177: {  	v4 =	vld [tilespmem:s14+$0xFFFFFF80];
	v5 =	vadd.s32 v0, v6;
	_ =	sdelay $0x4  }
0x178: {  	[tilespmem:v5+s17+$0x0] =	vst.idx.msk $0xffff, v4  }
0x179: {  	v5 =	vadd.s32 v1, v6;
	v4 =	vld [tilespmem:s14+$0xFFFFFF90];
	_ =	sdelay $0x4  }
0x17a: {  	[tilespmem:v5+s17+$0x0] =	vst.idx.msk $0xffff, v4  }
0x17b: {  	v5 =	vadd.s32 v2, v6;
	v4 =	vld [tilespmem:s14+$0xFFFFFFA0];
	_ =	sdelay $0x4  }
0x17c: {  	[tilespmem:v5+s17+$0x0] =	vst.idx.msk $0xffff, v4  }
0x17d: {  	v5 =	vadd.s32 v3, v6;
	v4 =	vld [tilespmem:s14+$0xFFFFFFB0];
	_ =	sdelay $0x2  }
0x17e: {  	s21 =	sadd.s32 $0x1, s15  }
0x17f: {  	v6 =	vmov s21  }
0x180: {  	[tilespmem:v5+s17+$0x0] =	vst.idx.msk $0xffff, v4;
	v4 =	vand.u32 $0x7D, v6  }
0x181: {  	v5 =	vld [tilespmem:s14+$0xFFFFFFC0];
	v6 =	vadd.s32 v0, v4;
	_ =	sdelay $0x4  }
0x182: {  	[tilespmem:v6+s17+$0x0] =	vst.idx.msk $0xffff, v5  }
0x183: {  	v6 =	vadd.s32 v1, v4;
	v5 =	vld [tilespmem:s14+$0xFFFFFFD0];
	_ =	sdelay $0x4  }
0x184: {  	[tilespmem:v6+s17+$0x0] =	vst.idx.msk $0xffff, v5  }
0x185: {  	v6 =	vadd.s32 v2, v4;
	v5 =	vld [tilespmem:s14+$0xFFFFFFE0];
	_ =	sdelay $0x4  }
0x186: {  	[tilespmem:v6+s17+$0x0] =	vst.idx.msk $0xffff, v5  }
0x187: {  	v4 =	vadd.s32 v3, v4;
	v5 =	vld [tilespmem:s14+$0xFFFFFFF0];
	_ =	sdelay $0x2  }
0x188: {  	s21 =	sadd.s32 $0x2, s15  }
0x189: {  	v6 =	vmov s21  }
0x18a: {  	[tilespmem:v4+s17+$0x0] =	vst.idx.msk $0xffff, v5;
	v4 =	vand.u32 $0x7E, v6  }
0x18b: {  	v5 =	vld [tilespmem:s14+$0x0];
	v6 =	vadd.s32 v0, v4;
	_ =	sdelay $0x4  }
0x18c: {  	[tilespmem:v6+s17+$0x0] =	vst.idx.msk $0xffff, v5  }
0x18d: {  	v6 =	vadd.s32 v1, v4;
	v5 =	vld [tilespmem:s14+$0x10];
	_ =	sdelay $0x4  }
0x18e: {  	[tilespmem:v6+s17+$0x0] =	vst.idx.msk $0xffff, v5  }
0x18f: {  	v6 =	vadd.s32 v2, v4;
	v5 =	vld [tilespmem:s14+$0x20];
	_ =	sdelay $0x4  }
0x190: {  	[tilespmem:v6+s17+$0x0] =	vst.idx.msk $0xffff, v5  }
0x191: {  	v4 =	vadd.s32 v3, v4;
	v5 =	vld [tilespmem:s14+$0x30];
	_ =	sdelay $0x2  }
0x192: {  	s21 =	sadd.s32 $0x3, s15;
	s15 =	smov.u32 s18  }
0x193: {  	v6 =	vmov s21  }
0x194: {  	[tilespmem:v4+s17+$0x0] =	vst.idx.msk $0xffff, v5;
	v5 =	vand.u32 $0x7F, v6  }
0x195: {  	v4 =	vld [tilespmem:s14+$0x40];
	v6 =	vadd.s32 v0, v5;
	_ =	sdelay $0x4  }
0x196: {  	[tilespmem:v6+s17+$0x0] =	vst.idx.msk $0xffff, v4  }
0x197: {  	v6 =	vadd.s32 v1, v5;
	v4 =	vld [tilespmem:s14+$0x50];
	_ =	sdelay $0x4  }
0x198: {  	[tilespmem:v6+s17+$0x0] =	vst.idx.msk $0xffff, v4  }
0x199: {  	v6 =	vadd.s32 v2, v5;
	v4 =	vld [tilespmem:s14+$0x60];
	_ =	sdelay $0x4  }
0x19a: {  	[tilespmem:v6+s17+$0x0] =	vst.idx.msk $0xffff, v4  }
.Ltmp1:
0x19b: {  	v5 =	vadd.s32 v3, v5;
	v4 =	vld [tilespmem:s14+$0x70];
	(pc) =	sbr.rel @p0 .LBB2_5-.Ltmp1, $2  }
0x19c: {  	_ =	sdelay $0x2  }
0x19d: {  	s18 =	sadd.s32 $0x4, s18;
	v6 =	vmov s15  }
0x19e: {  	_ =	sdelay $0x3  }
0x19f: {  	v6 =	vand.u32 $0x7C, v6;
	[tilespmem:v5+s17+$0x0] =	vst.idx.msk $0xffff, v4;
	s14 =	sadd.s32 $0x100, s14  }
0x1a0: {  	v4 =	vld [tilespmem:s14+$0xFFFFFF80];
	v5 =	vadd.s32 v0, v6;
	_ =	sdelay $0x4  }
0x1a1: {  	[tilespmem:v5+s17+$0x0] =	vst.idx.msk $0xffff, v4  }
0x1a2: {  	v5 =	vadd.s32 v1, v6;
	v4 =	vld [tilespmem:s14+$0xFFFFFF90];
	_ =	sdelay $0x4  }
0x1a3: {  	[tilespmem:v5+s17+$0x0] =	vst.idx.msk $0xffff, v4  }
0x1a4: {  	v5 =	vadd.s32 v2, v6;
	v4 =	vld [tilespmem:s14+$0xFFFFFFA0];
	_ =	sdelay $0x4  }
0x1a5: {  	[tilespmem:v5+s17+$0x0] =	vst.idx.msk $0xffff, v4  }
0x1a6: {  	v5 =	vadd.s32 v3, v6;
	v4 =	vld [tilespmem:s14+$0xFFFFFFB0];
	_ =	sdelay $0x2  }
0x1a7: {  	s18 =	sadd.s32 $0x1, s15  }
0x1a8: {  	v55 =	vmov s18  }
0x1a9: {  	[tilespmem:v5+s17+$0x0] =	vst.idx.msk $0xffff, v4;
	v4 =	vand.u32 $0x7D, v55  }
0x1aa: {  	v5 =	vld [tilespmem:s14+$0xFFFFFFC0];
	v6 =	vadd.s32 v0, v4;
	_ =	sdelay $0x4  }
0x1ab: {  	[tilespmem:v6+s17+$0x0] =	vst.idx.msk $0xffff, v5  }
0x1ac: {  	v56 =	vadd.s32 v1, v4;
	v5 =	vld [tilespmem:s14+$0xFFFFFFD0];
	_ =	sdelay $0x4  }
0x1ad: {  	[tilespmem:v56+s17+$0x0] =	vst.idx.msk $0xffff, v5  }
0x1ae: {  	v57 =	vadd.s32 v2, v4;
	v5 =	vld [tilespmem:s14+$0xFFFFFFE0];
	_ =	sdelay $0x4  }
0x1af: {  	[tilespmem:v57+s17+$0x0] =	vst.idx.msk $0xffff, v5  }
0x1b0: {  	v4 =	vadd.s32 v3, v4;
	v5 =	vld [tilespmem:s14+$0xFFFFFFF0];
	_ =	sdelay $0x2  }
0x1b1: {  	s21 =	sadd.s32 $0x2, s15  }
0x1b2: {  	v58 =	vmov s21  }
0x1b3: {  	[tilespmem:v4+s17+$0x0] =	vst.idx.msk $0xffff, v5;
	v4 =	vand.u32 $0x7E, v58  }
0x1b4: {  	v5 =	vld [tilespmem:s14+$0x0];
	v6 =	vadd.s32 v0, v4;
	_ =	sdelay $0x4  }
0x1b5: {  	[tilespmem:v6+s17+$0x0] =	vst.idx.msk $0xffff, v5  }
0x1b6: {  	v59 =	vadd.s32 v1, v4;
	v5 =	vld [tilespmem:s14+$0x10];
	_ =	sdelay $0x4  }
0x1b7: {  	[tilespmem:v59+s17+$0x0] =	vst.idx.msk $0xffff, v5  }
0x1b8: {  	v60 =	vadd.s32 v2, v4;
	v5 =	vld [tilespmem:s14+$0x20];
	_ =	sdelay $0x4  }
0x1b9: {  	[tilespmem:v60+s17+$0x0] =	vst.idx.msk $0xffff, v5  }
0x1ba: {  	v4 =	vadd.s32 v3, v4;
	v5 =	vld [tilespmem:s14+$0x30];
	_ =	sdelay $0x2  }
0x1bb: {  	s21 =	sadd.s32 $0x3, s15  }
0x1bc: {  	v61 =	vmov s21  }
0x1bd: {  	[tilespmem:v4+s17+$0x0] =	vst.idx.msk $0xffff, v5;
	v4 =	vand.u32 $0x7F, v61  }
0x1be: {  	v5 =	vld [tilespmem:s14+$0x40];
	v6 =	vadd.s32 v0, v4;
	_ =	sdelay $0x4  }
0x1bf: {  	[tilespmem:v6+s17+$0x0] =	vst.idx.msk $0xffff, v5  }
0x1c0: {  	v62 =	vadd.s32 v1, v4;
	v5 =	vld [tilespmem:s14+$0x50];
	_ =	sdelay $0x4  }
0x1c1: {  	[tilespmem:v62+s17+$0x0] =	vst.idx.msk $0xffff, v5  }
0x1c2: {  	v63 =	vadd.s32 v2, v4;
	v5 =	vld [tilespmem:s14+$0x60];
	_ =	sdelay $0x4  }
0x1c3: {  	[tilespmem:v63+s17+$0x0] =	vst.idx.msk $0xffff, v5  }
0x1c4: {  	v4 =	vadd.s32 v3, v4;
	v5 =	vld [tilespmem:s14+$0x70];
	_ =	sdelay $0x1  }
0x1c5: {  	s5 =	sshll.u32 s5, $0x12  }
0x1c6: {  	s5 =	sor.u32 s6, s5  }
0x1c7: {  	s5 =	sshrl.u32 s5, $0x3  }
0x1c8: {  	s14 =	sadd.s32 s2, s5;
	[tilespmem:v4+s17+$0x0] =	vst.idx.msk $0xffff, v5  }
0x1c9: {  	[hbm4b:s14+s3] =	stream.linear.scatter [tilespmem:s17], [sflag:$0x4], $0x80, $0x38;
	[tilespmem:$0xE800] =	vst v63  }
0x1ca: {  	s21 =	simm.s32 $0xC688;
	s18 =	sadd.s32 $0x10, s14  }
0x1cb: {  	[hbm4b:s18+s3] =	stream.linear.scatter [tilespmem:s21], [sflag:$0x4], $0x80, $0x38;
	[tilespmem:$0xE800] =	vst v63  }
0x1cc: {  	s18 =	sadd.s32 $0x20, s14;
	s21 =	simm.s32 $0xC710  }
0x1cd: {  	[hbm4b:s18+s3] =	stream.linear.scatter [tilespmem:s21], [sflag:$0x4], $0x80, $0x38;
	[tilespmem:$0xE800] =	vst v63  }
0x1ce: {  	s18 =	sadd.s32 $0x30, s14;
	s21 =	simm.s32 $0xC798  }
0x1cf: {  	[hbm4b:s18+s3] =	stream.linear.scatter [tilespmem:s21], [sflag:$0x4], $0x80, $0x38;
	[tilespmem:$0xE800] =	vst v63  }
0x1d0: {  	s18 =	sadd.s32 $0x40, s14;
	s21 =	simm.s32 $0xC820  }
0x1d1: {  	[hbm4b:s18+s3] =	stream.linear.scatter [tilespmem:s21], [sflag:$0x4], $0x80, $0x38;
	[tilespmem:$0xE800] =	vst v63  }
0x1d2: {  	s18 =	sadd.s32 $0x50, s14;
	s21 =	simm.s32 $0xC8A8  }
0x1d3: {  	[hbm4b:s18+s3] =	stream.linear.scatter [tilespmem:s21], [sflag:$0x4], $0x80, $0x38;
	[tilespmem:$0xE800] =	vst v63  }
0x1d4: {  	s18 =	sadd.s32 $0x60, s14;
	s21 =	simm.s32 $0xC930  }
0x1d5: {  	[hbm4b:s18+s3] =	stream.linear.scatter [tilespmem:s21], [sflag:$0x4], $0x80, $0x38;
	[tilespmem:$0xE800] =	vst v63  }
0x1d6: {  	s14 =	sadd.s32 $0x70, s14;
	s18 =	simm.s32 $0xC9B8  }
0x1d7: {  	[hbm4b:s14+s3] =	stream.linear.scatter [tilespmem:s18], [sflag:$0x4], $0x80, $0x38;
	[tilespmem:$0xE800] =	vst v63  }
0x1d8: {  	s21 =	simm.s32 $0xCA40;
	s14 =	sadd.s32 s5, s7  }
0x1d9: {  	[hbm4b:s14+s3] =	stream.linear.scatter [tilespmem:s21], [sflag:$0x4], $0x80, $0x38;
	[tilespmem:$0xE800] =	vst v63  }
0x1da: {  	s18 =	sadd.s32 $0x10, s14;
	s21 =	simm.s32 $0xCAC8  }
0x1db: {  	[hbm4b:s18+s3] =	stream.linear.scatter [tilespmem:s21], [sflag:$0x4], $0x80, $0x38;
	[tilespmem:$0xE800] =	vst v63  }
0x1dc: {  	s18 =	sadd.s32 $0x20, s14;
	s21 =	simm.s32 $0xCB50  }
0x1dd: {  	[hbm4b:s18+s3] =	stream.linear.scatter [tilespmem:s21], [sflag:$0x4], $0x80, $0x38;
	[tilespmem:$0xE800] =	vst v63  }
0x1de: {  	s18 =	sadd.s32 $0x30, s14;
	s21 =	simm.s32 $0xCBD8  }
0x1df: {  	[hbm4b:s18+s3] =	stream.linear.scatter [tilespmem:s21], [sflag:$0x4], $0x80, $0x38;
	[tilespmem:$0xE800] =	vst v63  }
0x1e0: {  	s18 =	sadd.s32 $0x40, s14;
	s21 =	simm.s32 $0xCC60  }
0x1e1: {  	[hbm4b:s18+s3] =	stream.linear.scatter [tilespmem:s21], [sflag:$0x4], $0x80, $0x38;
	[tilespmem:$0xE800] =	vst v63  }
0x1e2: {  	s18 =	sadd.s32 $0x50, s14;
	s21 =	simm.s32 $0xCCE8  }
0x1e3: {  	[hbm4b:s18+s3] =	stream.linear.scatter [tilespmem:s21], [sflag:$0x4], $0x80, $0x38;
	[tilespmem:$0xE800] =	vst v63  }
0x1e4: {  	s18 =	sadd.s32 $0x60, s14;
	s21 =	simm.s32 $0xCD70  }
0x1e5: {  	[hbm4b:s18+s3] =	stream.linear.scatter [tilespmem:s21], [sflag:$0x4], $0x80, $0x38;
	[tilespmem:$0xE800] =	vst v63  }
0x1e6: {  	s14 =	sadd.s32 $0x70, s14;
	s18 =	simm.s32 $0xCDF8  }
0x1e7: {  	[hbm4b:s14+s3] =	stream.linear.scatter [tilespmem:s18], [sflag:$0x4], $0x80, $0x38;
	[tilespmem:$0xE800] =	vst v63  }
0x1e8: {  	s21 =	simm.s32 $0xCE80;
	s14 =	sadd.s32 s5, s8  }
0x1e9: {  	[hbm4b:s14+s3] =	stream.linear.scatter [tilespmem:s21], [sflag:$0x4], $0x80, $0x38;
	[tilespmem:$0xE800] =	vst v63  }
0x1ea: {  	s18 =	sadd.s32 $0x10, s14;
	s21 =	simm.s32 $0xCF08  }
0x1eb: {  	[hbm4b:s18+s3] =	stream.linear.scatter [tilespmem:s21], [sflag:$0x4], $0x80, $0x38;
	[tilespmem:$0xE800] =	vst v63  }
0x1ec: {  	s18 =	sadd.s32 $0x20, s14;
	s21 =	simm.s32 $0xCF90  }
0x1ed: {  	[hbm4b:s18+s3] =	stream.linear.scatter [tilespmem:s21], [sflag:$0x4], $0x80, $0x38;
	[tilespmem:$0xE800] =	vst v63  }
0x1ee: {  	s18 =	sadd.s32 $0x30, s14;
	s21 =	simm.s32 $0xD018  }
0x1ef: {  	[hbm4b:s18+s3] =	stream.linear.scatter [tilespmem:s21], [sflag:$0x4], $0x80, $0x38;
	[tilespmem:$0xE800] =	vst v63  }
0x1f0: {  	s18 =	sadd.s32 $0x40, s14;
	s21 =	simm.s32 $0xD0A0  }
0x1f1: {  	[hbm4b:s18+s3] =	stream.linear.scatter [tilespmem:s21], [sflag:$0x4], $0x80, $0x38;
	[tilespmem:$0xE800] =	vst v63  }
0x1f2: {  	s18 =	sadd.s32 $0x50, s14;
	s21 =	simm.s32 $0xD128  }
0x1f3: {  	[hbm4b:s18+s3] =	stream.linear.scatter [tilespmem:s21], [sflag:$0x4], $0x80, $0x38;
	[tilespmem:$0xE800] =	vst v63  }
0x1f4: {  	s18 =	sadd.s32 $0x60, s14;
	s21 =	simm.s32 $0xD1B0  }
0x1f5: {  	[hbm4b:s18+s3] =	stream.linear.scatter [tilespmem:s21], [sflag:$0x4], $0x80, $0x38;
	[tilespmem:$0xE800] =	vst v63  }
0x1f6: {  	s14 =	sadd.s32 $0x70, s14;
	s18 =	simm.s32 $0xD238  }
0x1f7: {  	[hbm4b:s14+s3] =	stream.linear.scatter [tilespmem:s18], [sflag:$0x4], $0x80, $0x38;
	[tilespmem:$0xE800] =	vst v63  }
0x1f8: {  	s21 =	simm.s32 $0xD2C0;
	s14 =	sadd.s32 s5, s9  }
0x1f9: {  	[hbm4b:s14+s3] =	stream.linear.scatter [tilespmem:s21], [sflag:$0x4], $0x80, $0x38;
	[tilespmem:$0xE800] =	vst v63  }
0x1fa: {  	s18 =	sadd.s32 $0x10, s14;
	s21 =	simm.s32 $0xD348  }
0x1fb: {  	[hbm4b:s18+s3] =	stream.linear.scatter [tilespmem:s21], [sflag:$0x4], $0x80, $0x38;
	[tilespmem:$0xE800] =	vst v63  }
0x1fc: {  	s18 =	sadd.s32 $0x20, s14;
	s21 =	simm.s32 $0xD3D0  }
0x1fd: {  	[hbm4b:s18+s3] =	stream.linear.scatter [tilespmem:s21], [sflag:$0x4], $0x80, $0x38;
	[tilespmem:$0xE800] =	vst v63  }
0x1fe: {  	s18 =	sadd.s32 $0x30, s14;
	s21 =	simm.s32 $0xD458  }
0x1ff: {  	[hbm4b:s18+s3] =	stream.linear.scatter [tilespmem:s21], [sflag:$0x4], $0x80, $0x38;
	[tilespmem:$0xE800] =	vst v63  }
0x200: {  	s18 =	sadd.s32 $0x40, s14;
	s21 =	simm.s32 $0xD4E0  }
0x201: {  	[hbm4b:s18+s3] =	stream.linear.scatter [tilespmem:s21], [sflag:$0x4], $0x80, $0x38;
	[tilespmem:$0xE800] =	vst v63  }
0x202: {  	s18 =	sadd.s32 $0x50, s14;
	s21 =	simm.s32 $0xD568  }
0x203: {  	[hbm4b:s18+s3] =	stream.linear.scatter [tilespmem:s21], [sflag:$0x4], $0x80, $0x38;
	[tilespmem:$0xE800] =	vst v63  }
0x204: {  	s18 =	sadd.s32 $0x60, s14;
	s21 =	simm.s32 $0xD5F0  }
0x205: {  	[hbm4b:s18+s3] =	stream.linear.scatter [tilespmem:s21], [sflag:$0x4], $0x80, $0x38;
	[tilespmem:$0xE800] =	vst v63  }
0x206: {  	s14 =	sadd.s32 $0x70, s14;
	s18 =	simm.s32 $0xD678  }
0x207: {  	[hbm4b:s14+s3] =	stream.linear.scatter [tilespmem:s18], [sflag:$0x4], $0x80, $0x38;
	[tilespmem:$0xE800] =	vst v63  }
0x208: {  	s21 =	simm.s32 $0xD700;
	s14 =	sadd.s32 s5, s10  }
0x209: {  	[hbm4b:s14+s3] =	stream.linear.scatter [tilespmem:s21], [sflag:$0x4], $0x80, $0x38;
	[tilespmem:$0xE800] =	vst v63  }
0x20a: {  	s18 =	sadd.s32 $0x10, s14;
	s21 =	simm.s32 $0xD788  }
0x20b: {  	[hbm4b:s18+s3] =	stream.linear.scatter [tilespmem:s21], [sflag:$0x4], $0x80, $0x38;
	[tilespmem:$0xE800] =	vst v63  }
0x20c: {  	s18 =	sadd.s32 $0x20, s14;
	s21 =	simm.s32 $0xD810  }
0x20d: {  	[hbm4b:s18+s3] =	stream.linear.scatter [tilespmem:s21], [sflag:$0x4], $0x80, $0x38;
	[tilespmem:$0xE800] =	vst v63  }
0x20e: {  	s18 =	sadd.s32 $0x30, s14;
	s21 =	simm.s32 $0xD898  }
0x20f: {  	[hbm4b:s18+s3] =	stream.linear.scatter [tilespmem:s21], [sflag:$0x4], $0x80, $0x38;
	[tilespmem:$0xE800] =	vst v63  }
0x210: {  	s18 =	sadd.s32 $0x40, s14;
	s21 =	simm.s32 $0xD920  }
0x211: {  	[hbm4b:s18+s3] =	stream.linear.scatter [tilespmem:s21], [sflag:$0x4], $0x80, $0x38;
	[tilespmem:$0xE800] =	vst v63  }
0x212: {  	s18 =	sadd.s32 $0x50, s14;
	s21 =	simm.s32 $0xD9A8  }
0x213: {  	[hbm4b:s18+s3] =	stream.linear.scatter [tilespmem:s21], [sflag:$0x4], $0x80, $0x38;
	[tilespmem:$0xE800] =	vst v63  }
0x214: {  	s18 =	sadd.s32 $0x60, s14;
	s21 =	simm.s32 $0xDA30  }
0x215: {  	[hbm4b:s18+s3] =	stream.linear.scatter [tilespmem:s21], [sflag:$0x4], $0x80, $0x38;
	[tilespmem:$0xE800] =	vst v63  }
0x216: {  	s14 =	sadd.s32 $0x70, s14;
	s18 =	simm.s32 $0xDAB8  }
0x217: {  	[hbm4b:s14+s3] =	stream.linear.scatter [tilespmem:s18], [sflag:$0x4], $0x80, $0x38;
	[tilespmem:$0xE800] =	vst v63  }
0x218: {  	s21 =	simm.s32 $0xDB40;
	s14 =	sadd.s32 s5, s11  }
0x219: {  	[hbm4b:s14+s3] =	stream.linear.scatter [tilespmem:s21], [sflag:$0x4], $0x80, $0x38;
	[tilespmem:$0xE800] =	vst v63  }
0x21a: {  	s18 =	sadd.s32 $0x10, s14;
	s21 =	simm.s32 $0xDBC8  }
0x21b: {  	[hbm4b:s18+s3] =	stream.linear.scatter [tilespmem:s21], [sflag:$0x4], $0x80, $0x38;
	[tilespmem:$0xE800] =	vst v63  }
0x21c: {  	s18 =	sadd.s32 $0x20, s14;
	s21 =	simm.s32 $0xDC50  }
0x21d: {  	[hbm4b:s18+s3] =	stream.linear.scatter [tilespmem:s21], [sflag:$0x4], $0x80, $0x38;
	[tilespmem:$0xE800] =	vst v63  }
0x21e: {  	s18 =	sadd.s32 $0x30, s14;
	s21 =	simm.s32 $0xDCD8  }
0x21f: {  	[hbm4b:s18+s3] =	stream.linear.scatter [tilespmem:s21], [sflag:$0x4], $0x80, $0x38;
	[tilespmem:$0xE800] =	vst v63  }
0x220: {  	s18 =	sadd.s32 $0x40, s14;
	s21 =	simm.s32 $0xDD60  }
0x221: {  	[hbm4b:s18+s3] =	stream.linear.scatter [tilespmem:s21], [sflag:$0x4], $0x80, $0x38;
	[tilespmem:$0xE800] =	vst v63  }
0x222: {  	s18 =	sadd.s32 $0x50, s14;
	s21 =	simm.s32 $0xDDE8  }
0x223: {  	[hbm4b:s18+s3] =	stream.linear.scatter [tilespmem:s21], [sflag:$0x4], $0x80, $0x38;
	[tilespmem:$0xE800] =	vst v63  }
0x224: {  	s18 =	sadd.s32 $0x60, s14;
	s21 =	simm.s32 $0xDE70  }
0x225: {  	[hbm4b:s18+s3] =	stream.linear.scatter [tilespmem:s21], [sflag:$0x4], $0x80, $0x38;
	[tilespmem:$0xE800] =	vst v63  }
0x226: {  	s14 =	sadd.s32 $0x70, s14;
	s18 =	simm.s32 $0xDEF8  }
0x227: {  	[hbm4b:s14+s3] =	stream.linear.scatter [tilespmem:s18], [sflag:$0x4], $0x80, $0x38;
	[tilespmem:$0xE800] =	vst v63  }
0x228: {  	s21 =	simm.s32 $0xDF80;
	s14 =	sadd.s32 s5, s12  }
0x229: {  	[hbm4b:s14+s3] =	stream.linear.scatter [tilespmem:s21], [sflag:$0x4], $0x80, $0x38;
	[tilespmem:$0xE800] =	vst v63  }
0x22a: {  	s18 =	sadd.s32 $0x10, s14;
	s21 =	simm.s32 $0xE008  }
0x22b: {  	[hbm4b:s18+s3] =	stream.linear.scatter [tilespmem:s21], [sflag:$0x4], $0x80, $0x38;
	[tilespmem:$0xE800] =	vst v63  }
0x22c: {  	s18 =	sadd.s32 $0x20, s14;
	s21 =	simm.s32 $0xE090  }
0x22d: {  	[hbm4b:s18+s3] =	stream.linear.scatter [tilespmem:s21], [sflag:$0x4], $0x80, $0x38;
	[tilespmem:$0xE800] =	vst v63  }
0x22e: {  	s18 =	sadd.s32 $0x30, s14;
	s21 =	simm.s32 $0xE118  }
0x22f: {  	[hbm4b:s18+s3] =	stream.linear.scatter [tilespmem:s21], [sflag:$0x4], $0x80, $0x38;
	[tilespmem:$0xE800] =	vst v63  }
0x230: {  	s18 =	sadd.s32 $0x40, s14;
	s21 =	simm.s32 $0xE1A0  }
0x231: {  	[hbm4b:s18+s3] =	stream.linear.scatter [tilespmem:s21], [sflag:$0x4], $0x80, $0x38;
	[tilespmem:$0xE800] =	vst v63  }
0x232: {  	s18 =	sadd.s32 $0x50, s14;
	s21 =	simm.s32 $0xE228  }
0x233: {  	[hbm4b:s18+s3] =	stream.linear.scatter [tilespmem:s21], [sflag:$0x4], $0x80, $0x38;
	[tilespmem:$0xE800] =	vst v63  }
0x234: {  	s18 =	sadd.s32 $0x60, s14;
	s21 =	simm.s32 $0xE2B0  }
0x235: {  	[hbm4b:s18+s3] =	stream.linear.scatter [tilespmem:s21], [sflag:$0x4], $0x80, $0x38;
	[tilespmem:$0xE800] =	vst v63  }
0x236: {  	s14 =	sadd.s32 $0x70, s14  }
0x237: {  	[hbm4b:s14+s3] =	stream.linear.scatter [tilespmem:s22], [sflag:$0x4], $0x80, $0x38;
	[tilespmem:$0xE800] =	vst v63  }
0x238: {  	s5 =	sadd.s32 s5, s13  }
0x239: {  	[hbm4b:s5+s3] =	stream.linear.scatter [tilespmem:s23], [sflag:$0x4], $0x80, $0x38;
	[tilespmem:$0xE800] =	vst v63  }
0x23a: {  	s15 =	sadd.s32 $0x10, s5  }
0x23b: {  	[hbm4b:s15+s3] =	stream.linear.scatter [tilespmem:s24], [sflag:$0x4], $0x80, $0x38;
	[tilespmem:$0xE800] =	vst v63  }
0x23c: {  	s18 =	sadd.s32 $0x20, s5  }
0x23d: {  	[hbm4b:s18+s3] =	stream.linear.scatter [tilespmem:s25], [sflag:$0x4], $0x80, $0x38;
	[tilespmem:$0xE800] =	vst v63  }
0x23e: {  	s21 =	sadd.s32 $0x30, s5  }
0x23f: {  	[hbm4b:s21+s3] =	stream.linear.scatter [tilespmem:s26], [sflag:$0x4], $0x80, $0x38;
	[tilespmem:$0xE800] =	vst v63  }
0x240: {  	s16 =	sadd.s32 $0x1, s16;
	s15 =	sadd.s32 $0x40, s5  }
0x241: {  	[hbm4b:s15+s3] =	stream.linear.scatter [tilespmem:s28], [sflag:$0x4], $0x80, $0x38;
	[tilespmem:$0xE800] =	vst v63  }
0x242: {  	p0 =	sne.s32 s16, $0x64;
	s18 =	sadd.s32 $0x50, s5  }
0x243: {  	[hbm4b:s18+s3] =	stream.linear.scatter [tilespmem:s29], [sflag:$0x4], $0x80, $0x38;
	[tilespmem:$0xE800] =	vst v63  }
.Ltmp2:
0x244: {  	_ = 	snop;
	(pc) =	sbr.rel @p0 .LBB2_2-.Ltmp2, $4  }
0x245: {  	s21 =	sadd.s32 $0x60, s5  }
0x246: {  	[hbm4b:s21+s3] =	stream.linear.scatter [tilespmem:s30], [sflag:$0x4], $0x80, $0x38;
	[tilespmem:$0xE800] =	vst v63  }
0x247: {  	s5 =	sadd.s32 $0x70, s5  }
0x248: {  	[hbm4b:s5+s3] =	stream.linear.scatter [tilespmem:s31], [sflag:$0x4], $0x80, $0x38;
	[tilespmem:$0xE800] =	vst v63  }
0x249: {  	s5 =	simm.s32 $0x3  }
0x24a: {  	_ =	swait.ge [sflag:s5], $0x400  }
0x24b: {  	[sflag:s5] =	ssyncset.done $0x0  }
0x24c: {  	[sflag:s5] =	ssyncadd.s32 $0xFFFFFC00  }
0x24d: {  	_ =	swait.ge [sflag:s5], $0x400  }
0x24e: {  	[sflag:s5] =	ssyncset.done $0x0  }
0x24f: {  	[sflag:s5] =	ssyncadd.s32 $0xFFFFFC00  }
0x250: {  	_ =	swait.ge [sflag:s5], $0x400  }
0x251: {  	[sflag:s5] =	ssyncset.done $0x0  }
0x252: {  	[sflag:s5] =	ssyncadd.s32 $0xFFFFFC00  }
0x253: {  	_ =	swait.ge [sflag:s5], $0x400  }
0x254: {  	[sflag:s5] =	ssyncset.done $0x0  }
0x255: {  	[sflag:s5] =	ssyncadd.s32 $0xFFFFFC00  }
0x256: {  	_ =	swait.ge [sflag:s5], $0x400  }
0x257: {  	[sflag:s5] =	ssyncset.done $0x0  }
0x258: {  	[sflag:s5] =	ssyncadd.s32 $0xFFFFFC00  }
0x259: {  	_ =	swait.ge [sflag:s5], $0x400  }
0x25a: {  	[sflag:s5] =	ssyncset.done $0x0  }
0x25b: {  	[sflag:s5] =	ssyncadd.s32 $0xFFFFFC00  }
0x25c: {  	_ =	swait.ge [sflag:s5], $0x400  }
0x25d: {  	[sflag:s5] =	ssyncset.done $0x0  }
0x25e: {  	[sflag:s5] =	ssyncadd.s32 $0xFFFFFC00  }
0x25f: {  	_ =	swait.ge [sflag:s5], $0x400  }
0x260: {  	[sflag:s5] =	ssyncset.done $0x0  }
0x261: {  	[sflag:s5] =	ssyncadd.s32 $0xFFFFFC00  }
0x262: {  	_ =	swait.ge [sflag:s0], $0x400  }
0x263: {  	[sflag:s0] =	ssyncset.done $0x0  }
0x264: {  	[sflag:s0] =	ssyncadd.s32 $0xFFFFFC00  }
0x265: {  	_ =	swait.ge [sflag:s0], $0x400  }
0x266: {  	[sflag:s0] =	ssyncset.done $0x0  }
0x267: {  	[sflag:s0] =	ssyncadd.s32 $0xFFFFFC00  }
0x268: {  	_ =	swait.ge [sflag:s0], $0x400  }
0x269: {  	[sflag:s0] =	ssyncset.done $0x0  }
0x26a: {  	[sflag:s0] =	ssyncadd.s32 $0xFFFFFC00  }
0x26b: {  	_ =	swait.ge [sflag:s0], $0x400  }
0x26c: {  	[sflag:s0] =	ssyncset.done $0x0  }
0x26d: {  	[sflag:s0] =	ssyncadd.s32 $0xFFFFFC00  }
0x26e: {  	_ =	swait.ge [sflag:s0], $0x400  }
0x26f: {  	[sflag:s0] =	ssyncset.done $0x0  }
0x270: {  	[sflag:s0] =	ssyncadd.s32 $0xFFFFFC00  }
0x271: {  	_ =	swait.ge [sflag:s0], $0x400  }
0x272: {  	[sflag:s0] =	ssyncset.done $0x0  }
0x273: {  	[sflag:s0] =	ssyncadd.s32 $0xFFFFFC00  }
0x274: {  	_ =	swait.ge [sflag:s0], $0x400  }
0x275: {  	[sflag:s0] =	ssyncset.done $0x0  }
0x276: {  	[sflag:s0] =	ssyncadd.s32 $0xFFFFFC00  }
0x277: {  	_ =	swait.ge [sflag:s0], $0x400  }
0x278: {  	s14 =	rddreg [dreg:$0x6]  }
0x279: {  	s21 =	rddreg [dreg:$0x5];
	s14 =	sadd.s32 $0x1, s14  }
0x27a: {  	p0 =	sne.s32 s14, s21  }
.Ltmp3:
0x27b: {  	_ = 	snop;
	(pc) =	sbr.rel @p0 .LBB2_1-.Ltmp3, $3  }
0x27c: {  	_ =	sdelay $0x1  }
0x27d: {  	[sflag:s0] =	ssyncset.done $0x0  }
0x27e: {  	[sflag:s0] =	ssyncadd.s32 $0xFFFFFC00  }
0x27f: {  	_ =	sfence.sel $0x180000  }
0x280: {  	[bflag:$0x0] =	sbarrier.arrive $0xFFFF  }
0x281: {  	_ =	strace $0x90000047  }
0x282: {  	s0 =	stileid.u32;
	[bflag:$0x2] =	sbarrier.arrive $0xFFFF  }
0x283: {  	p0 =	sne.s32 s0, $0x0;
	s0 =	rddreg [dreg:$0x3]  }
0x284: {  	s0 =	sadd.s32 @!p0 $0x100000, s0  }
0x285: {  	[sflag:s0] =	ssyncadd.tile.s32 @!p0 $0x1;
	_ =	shalt  }
.Lfunc_end2:
_tile_overlayer_lowered:
.L_overlay_start_2:
0x286: {  	(tag) =	ssettag $0x2  }
0x287: {  	s0 =	rddreg [dreg:$0x0];
	s2 =	stileid.u32  }
0x288: {  	s1 =	rddreg [dreg:$0x1];
	p0 =	sne.s32 s2, $0x0  }
0x289: {  	s3 =	rddreg [dreg:$0x2];
	[bflag:$0x3] =	sbarrier.arrive $0xFFFF;
	s2 =	simm.s32 @!p0 $0x1C05  }
0x28a: {  	[timem:s3], [sflag:s2] =	dma.local @!p0 [hbm:s0], s1  }
0x28b: {  	s0 =	simm.s32 @!p0 $0x5  }
0x28c: {  	_ =	swait.ge @!p0 [sflag:s0], s1  }
0x28d: {  	s1 =	ssub.s32 @!p0 $0x0, s1;
	[sflag:s0] =	ssyncset.done @!p0 $0x0  }
0x28e: {  	[sflag:s0] =	ssyncadd.s32 @!p0 s1  }
0x28f: {  	[bflag:$0x3] =	sbarrier.arrive $0xFFFF  }
0x290: {  	_ =	shalt  }

</sc_bundles>
